<compile_context>
chip_gen: v7x
topology: tpu7x:2x2x1
jax: 0.10.2.dev20260603
libtpu: 0.0.44.dev20260713+nightly
codegen_flags: <defaults>
</compile_context>

<pallas_src>
import jax
import jax.numpy as jnp
from jax import lax
from jax.experimental import pallas as pl
from jax.experimental.pallas import tpu as pltpu
from jax.experimental.pallas import tpu_sc as plsc

N = 100000
D = 128
B = 8192
NC = 2
NS = 16
CUT = B // 2
GPW = B // (NC * NS)
CH = 128
NCH = N // CH
TAIL = N - NCH * CH
SPS = 6272
SPL = N - (NS - 1) * SPS


def _body(ne, sid, st, en, out, gidx, ids, rows, grow1, sbuf, idt, rowst,
          cnt_v, cmat, acc, cnt_sh, gsem, isem, rsem, psem, esem):
    c = lax.axis_index("c")
    s = lax.axis_index("s")
    w = c * NS + s

    soff = pl.multiple_of(s * SPS, 8)

    @pl.when(s < NS - 1)
    def _ps_a():
        pltpu.async_copy(sid.at[pl.ds(soff, SPS)], sbuf, psem)

    @pl.when(s == NS - 1)
    def _ps_b():
        pltpu.async_copy(sid.at[pl.ds(soff, SPL)], sbuf.at[pl.ds(0, SPL)],
                         psem)
        pltpu.async_copy(sid.at[pl.ds(NCH * CH, TAIL)],
                         sbuf.at[pl.ds(SPL, TAIL)], psem)

    base = pl.multiple_of(w * GPW, GPW)
    for h in range(2):
        pltpu.async_copy(st.at[pl.ds(base + h * 128, 128)], gidx.at[h], isem)
        pltpu.async_copy(en.at[pl.ds(base + h * 128, 128)], gidx.at[2 + h],
                         isem)
    for _ in range(4):
        pltpu.make_async_copy(st.at[pl.ds(0, 128)], gidx.at[0], isem).wait()
    for h in range(2):
        pltpu.async_copy(ne.at[gidx.at[h]], rows.at[h], gsem)
    pltpu.async_copy(ne.at[gidx.at[2]], grow1, esem)

    def zero_step(i, _):
        rowst[i // 8, pl.ds((i % 8) * 16, 16)] = jnp.zeros((16,), jnp.float32)
        return 0
    lax.fori_loop(0, TAIL * 8, zero_step, 0)
    zbase = pl.multiple_of(s * 512, 512)

    def zero_copy(k, _):
        pltpu.sync_copy(rowst,
                        acc.at[pl.ds(pl.multiple_of(zbase + k * TAIL, TAIL),
                                     TAIL)])
        return 0
    lax.fori_loop(0, 512 // TAIL, zero_copy, 0)

    def count_groups(ngroups, cvec):
        def ld(i, cv):
            v = sbuf[pl.ds(i * 16, 16)]
            return cv + jnp.where(v < CUT, 1, 0).astype(jnp.int32)
        return lax.fori_loop(0, ngroups, ld, cvec)

    cvec = jnp.zeros((16,), jnp.int32)

    @pl.when(s < NS - 1)
    def _ps_wa():
        pltpu.make_async_copy(sid.at[pl.ds(0, SPS)], sbuf, psem).wait()

    @pl.when(s == NS - 1)
    def _ps_wb():
        pltpu.make_async_copy(sid.at[pl.ds(0, SPL)], sbuf.at[pl.ds(0, SPL)],
                              psem).wait()
        pltpu.make_async_copy(sid.at[pl.ds(0, TAIL)],
                              sbuf.at[pl.ds(0, TAIL)], psem).wait()

    ng = jnp.where(s < NS - 1, SPS // 16, (SPL + TAIL) // 16)
    cv = count_groups(ng, cvec)
    for j in range(8):
        cnt_v[pl.ds(16 * j, 16)] = cv

    pltpu.sync_copy(cnt_v, cnt_sh.at[s])
    plsc.subcore_barrier()
    pltpu.sync_copy(cnt_sh, cmat)

    def addrow(i, tv):
        return tv + cmat[i, pl.ds(0, 16)]
    tot = lax.fori_loop(0, NS, addrow, jnp.zeros((16,), jnp.int32))
    r_star = jnp.sum(tot)

    for _ in range(2):
        pltpu.make_async_copy(ne.at[gidx.at[0]], rows.at[0], gsem).wait()
    for h in range(2):
        pltpu.async_copy(rows.at[h],
                         out.at[pl.ds(base + h * 128, 128), pl.ds(D, D)],
                         gsem)

    nc0 = jnp.minimum((r_star + CH - 1) // CH, NCH)
    k0 = jnp.minimum(r_star // CH, NCH)
    my_lo = jnp.where(c == 0, s, k0 + s)
    my_hi = jnp.where(c == 0, nc0, NCH)
    nit = jnp.maximum(my_hi - my_lo + NS - 1, 0) // NS

    for h in range(2):
        pltpu.make_async_copy(rows.at[h],
                              out.at[pl.ds(base, 128), pl.ds(D, D)],
                              gsem).wait()

    def fire(i, slot):
        start = pl.multiple_of((my_lo + i * NS) * CH, CH)
        pltpu.async_copy(sid.at[pl.ds(start, CH)], ids.at[slot, 0], isem)
        pltpu.async_copy(ne.at[pl.ds(start, CH)], rows.at[slot], rsem)

    @pl.when(nit > 0)
    def _prime():
        fire(0, 0)

    def it(g, _):
        @pl.when(g + 1 < nit)
        def _prefetch():
            fire(g + 1, lax.rem(g + 1, 2))
        pltpu.make_async_copy(sid.at[pl.ds(0, CH)], ids.at[0, 0],
                              isem).wait()
        pltpu.make_async_copy(ne.at[pl.ds(0, CH)], rows.at[0], rsem).wait()
        slot = lax.rem(g, 2)
        pltpu.sync_copy(rows.at[slot], acc.at[ids.at[slot, 0]], add=True)
        return 0

    lax.fori_loop(0, nit, it, 0)

    @pl.when(s == NS - 1)
    def _tail():
        pltpu.sync_copy(sid.at[pl.ds(NCH * CH, TAIL)], idt.at[0])
        pltpu.sync_copy(ne.at[pl.ds(NCH * CH, TAIL)], rowst)
        pltpu.sync_copy(rowst, acc.at[idt.at[0]], add=True)

    pltpu.async_copy(ne.at[gidx.at[3]], rows.at[1], gsem)
    pltpu.make_async_copy(ne.at[gidx.at[2]], grow1, esem).wait()
    pltpu.async_copy(grow1, out.at[pl.ds(base, 128), pl.ds(2 * D, D)], esem)
    pltpu.make_async_copy(ne.at[gidx.at[0]], rows.at[1], gsem).wait()
    pltpu.sync_copy(rows.at[1],
                    out.at[pl.ds(base + 128, 128), pl.ds(2 * D, D)])
    pltpu.make_async_copy(grow1, out.at[pl.ds(base, 128), pl.ds(2 * D, D)],
                          esem).wait()

    plsc.subcore_barrier()

    obase = pl.multiple_of(c * CUT + s * GPW, GPW)
    pltpu.async_copy(acc.at[pl.ds(obase, 128)], rows.at[0], rsem)
    pltpu.make_async_copy(acc.at[pl.ds(obase, 128)], rows.at[0], rsem).wait()
    pltpu.async_copy(acc.at[pl.ds(obase + 128, 128)], rows.at[1], rsem)
    pltpu.async_copy(rows.at[0],
                     out.at[pl.ds(obase, 128), pl.ds(0, D)], gsem)
    pltpu.make_async_copy(acc.at[pl.ds(obase, 128)], rows.at[1], rsem).wait()
    pltpu.async_copy(rows.at[1],
                     out.at[pl.ds(obase + 128, 128), pl.ds(0, D)], gsem)
    for _ in range(2):
        pltpu.make_async_copy(rows.at[0],
                              out.at[pl.ds(obase, 128), pl.ds(0, D)],
                              gsem).wait()


_sc_call = pl.kernel(
    _body,
    out_type=jax.ShapeDtypeStruct((B, 3 * D), jnp.float32),
    mesh=plsc.VectorSubcoreMesh(core_axis_name="c", subcore_axis_name="s"),
    scratch_types=[
        pltpu.VMEM((4, 128), jnp.int32),
        pltpu.VMEM((2, 1, CH), jnp.int32),
        pltpu.VMEM((2, CH, D), jnp.float32),
        pltpu.VMEM((CH, D), jnp.float32),
        pltpu.VMEM((SPS,), jnp.int32),
        pltpu.VMEM((1, TAIL), jnp.int32),
        pltpu.VMEM((TAIL, D), jnp.float32),
        pltpu.VMEM((128,), jnp.int32),
        pltpu.VMEM((NS, 128), jnp.int32),
        pltpu.VMEM_SHARED((B, D), jnp.float32),
        pltpu.VMEM_SHARED((NS, 128), jnp.int32),
        pltpu.SemaphoreType.DMA,
        pltpu.SemaphoreType.DMA,
        pltpu.SemaphoreType.DMA,
        pltpu.SemaphoreType.DMA,
        pltpu.SemaphoreType.DMA,
    ],
    compiler_params=pltpu.CompilerParams(use_tc_tiling_on_sc=True,
                                         needs_layout_passes=False),
)


def kernel(node_embed, segment_ids, start_idx, end_idx):
    return _sc_call(node_embed,
                    segment_ids.astype(jnp.int32),
                    start_idx.astype(jnp.int32),
                    end_idx.astype(jnp.int32))

# --- scband reference (transcript-rebuilt; emitter-appended) ---
"""Pipeline reference for scband-basic-state-encoder-49082886259300 (READ-ONLY COPY).

The authoritative reference and input builder live on the scoring server;
editing this copy changes nothing except your own understanding.
"""

import jax, jax.numpy as jnp
import numpy as np

N = 100000
D = 128
B = 8192

def setup_inputs(seed: int = 0) -> dict:
    key = jax.random.key(seed)
    k1, k2, k3, k4 = jax.random.split(key, 4)
    node_embed = jax.random.normal(k1, (N, D), dtype=jnp.float32)
    segment_ids = jnp.sort(jax.random.randint(k2, (N,), 0, B, dtype=jnp.int64))
    start_idx = jax.random.randint(k3, (B,), 0, N, dtype=jnp.int64)
    end_idx = jax.random.randint(k4, (B,), 0, N, dtype=jnp.int64)
    return {"node_embed": node_embed, "segment_ids": segment_ids, "start_idx": start_idx, "end_idx": end_idx}

def reference(node_embed, segment_ids, start_idx, end_idx):
    # start_param / end_param are sparse row-selector matrices: sparse @ dense == gather
    start_node_embed = jnp.take(node_embed, start_idx, axis=0)
    end_node_embed = jnp.take(node_embed, end_idx, axis=0)
    # subgsum_param is a sparse subgraph-sum matrix: sparse @ dense == segment_sum
    aggregated_node_embed = jax.ops.segment_sum(node_embed, segment_ids, num_segments=B)
    aggregated_node_embed = aggregated_node_embed.reshape(-1, D)
    raw_state_embed = jnp.concatenate([aggregated_node_embed, start_node_embed, end_node_embed], axis=1)
    state_embed = raw_state_embed.reshape(-1, 3 * D)
    return state_embed

if __name__ == "__main__":
    import jax
    _d = setup_inputs()
    print(jax.jit(kernel)(*tuple(_d.values())))

</pallas_src>

<mosaic_0001>
#map = affine_map<(d0, d1) -> (0, 0)>
#map1 = affine_map<(d0, d1) -> (0)>
module attributes {stable_mosaic.version = 14 : i64} {
  func.func @_body(%arg0: i32, %arg1: i32, %arg2: memref<100000x128xf32, #tpu.memory_space<hbm>>, %arg3: memref<100000xi32, #tpu.memory_space<hbm>>, %arg4: memref<8192xi32, #tpu.memory_space<hbm>>, %arg5: memref<8192xi32, #tpu.memory_space<hbm>>, %arg6: memref<8192x384xf32, #tpu.memory_space<hbm>>, %arg7: memref<4x128xi32, #tpu.memory_space<vmem>>, %arg8: memref<2x1x128xi32, #tpu.memory_space<vmem>>, %arg9: memref<2x128x128xf32, #tpu.memory_space<vmem>>, %arg10: memref<128x128xf32, #tpu.memory_space<vmem>>, %arg11: memref<6272xi32, #tpu.memory_space<vmem>>, %arg12: memref<1x32xi32, #tpu.memory_space<vmem>>, %arg13: memref<32x128xf32, #tpu.memory_space<vmem>>, %arg14: memref<128xi32, #tpu.memory_space<vmem>>, %arg15: memref<16x128xi32, #tpu.memory_space<vmem>>, %arg16: memref<8192x128xf32, #tpu.memory_space<vmem_shared>>, %arg17: memref<16x128xi32, #tpu.memory_space<vmem_shared>>, %arg18: memref<!tpu.dma_semaphore, #tpu.memory_space<semaphore_mem>>, %arg19: memref<!tpu.dma_semaphore, #tpu.memory_space<semaphore_mem>>, %arg20: memref<!tpu.dma_semaphore, #tpu.memory_space<semaphore_mem>>, %arg21: memref<!tpu.dma_semaphore, #tpu.memory_space<semaphore_mem>>, %arg22: memref<!tpu.dma_semaphore, #tpu.memory_space<semaphore_mem>>) attributes {dimension_semantics = [#tpu.dimension_semantics<core_parallel>, #tpu.dimension_semantics<subcore_parallel>], iteration_bounds = array<i64: 2, 16>, scalar_prefetch = 0 : i64, scratch_operands = 16 : i64, tpu.core_type = #tpu.core_type<sc_vector_subcore>, window_params = [{transform_indices = #map}, {transform_indices = #map1}, {transform_indices = #map1}, {transform_indices = #map1}, {transform_indices = #map}]} {
    %mul3A = arith.constant 16 : i32
    %mul3A_0 = arith.muli %arg0, %mul3A : i32
    %add3A = arith.addi %mul3A_0, %arg1 : i32
    %mul3A_1 = arith.constant 6272 : i32
    %mul3A_2 = arith.muli %arg1, %mul3A_1 : i32
    %multiple_of3A = tpu.assume_multiple %mul3A_2, 8 : i32
    %lt3A = arith.constant 15 : i32
    %lt3A_3 = arith.cmpi slt, %arg1, %lt3A : i32
    %convert_element_type3A = arith.extui %lt3A_3 : i1 to i32
    %cond3A = arith.constant 0 : i32
    %cond3A_4 = arith.cmpi ne, %convert_element_type3A, %cond3A : i32
    scf.if %cond3A_4 {
      %dma_start3A_539 = tpu.memref_slice %arg3[%multiple_of3A] : memref<100000xi32, #tpu.memory_space<hbm>> -> memref<6272xi32, #tpu.memory_space<hbm>>
      %dma_start3A_540 = tpu.memref_slice %arg3[%multiple_of3A] : memref<100000xi32, #tpu.memory_space<hbm>> -> memref<6272xi32, #tpu.memory_space<hbm>>
      tpu.enqueue_dma source(%dma_start3A_540 : memref<6272xi32, #tpu.memory_space<hbm>>) target(%arg11 : memref<6272xi32, #tpu.memory_space<vmem>>) target_semaphore(%arg21 : memref<!tpu.dma_semaphore, #tpu.memory_space<semaphore_mem>>)
    } else {
    }
    %eq3A = arith.constant 15 : i32
    %eq3A_5 = arith.cmpi eq, %arg1, %eq3A : i32
    %convert_element_type3A_6 = arith.extui %eq3A_5 : i1 to i32
    %cond3A_7 = arith.constant 0 : i32
    %cond3A_8 = arith.cmpi ne, %convert_element_type3A_6, %cond3A_7 : i32
    scf.if %cond3A_8 {
      %dma_start3A_539 = arith.constant 0 : i32
      %dma_start3A_540 = tpu.memref_slice %arg11[%dma_start3A_539] : memref<6272xi32, #tpu.memory_space<vmem>> -> memref<5920xi32, #tpu.memory_space<vmem>>
      %dma_start3A_541 = tpu.memref_slice %arg3[%multiple_of3A] : memref<100000xi32, #tpu.memory_space<hbm>> -> memref<5920xi32, #tpu.memory_space<hbm>>
      %dma_start3A_542 = arith.constant 0 : i32
      %dma_start3A_543 = tpu.memref_slice %arg11[%dma_start3A_542] : memref<6272xi32, #tpu.memory_space<vmem>> -> memref<5920xi32, #tpu.memory_space<vmem>>
      %dma_start3A_544 = tpu.memref_slice %arg3[%multiple_of3A] : memref<100000xi32, #tpu.memory_space<hbm>> -> memref<5920xi32, #tpu.memory_space<hbm>>
      tpu.enqueue_dma source(%dma_start3A_544 : memref<5920xi32, #tpu.memory_space<hbm>>) target(%dma_start3A_543 : memref<5920xi32, #tpu.memory_space<vmem>>) target_semaphore(%arg21 : memref<!tpu.dma_semaphore, #tpu.memory_space<semaphore_mem>>)
      %dma_start3A_545 = arith.constant 5920 : i32
      %dma_start3A_546 = tpu.memref_slice %arg11[%dma_start3A_545] : memref<6272xi32, #tpu.memory_space<vmem>> -> memref<32xi32, #tpu.memory_space<vmem>>
      %dma_start3A_547 = arith.constant 99968 : i32
      %dma_start3A_548 = tpu.memref_slice %arg3[%dma_start3A_547] : memref<100000xi32, #tpu.memory_space<hbm>> -> memref<32xi32, #tpu.memory_space<hbm>>
      %dma_start3A_549 = arith.constant 5920 : i32
      %dma_start3A_550 = tpu.memref_slice %arg11[%dma_start3A_549] : memref<6272xi32, #tpu.memory_space<vmem>> -> memref<32xi32, #tpu.memory_space<vmem>>
      %dma_start3A_551 = arith.constant 99968 : i32
      %dma_start3A_552 = tpu.memref_slice %arg3[%dma_start3A_551] : memref<100000xi32, #tpu.memory_space<hbm>> -> memref<32xi32, #tpu.memory_space<hbm>>
      tpu.enqueue_dma source(%dma_start3A_552 : memref<32xi32, #tpu.memory_space<hbm>>) target(%dma_start3A_550 : memref<32xi32, #tpu.memory_space<vmem>>) target_semaphore(%arg21 : memref<!tpu.dma_semaphore, #tpu.memory_space<semaphore_mem>>)
    } else {
    }
    %mul3A_9 = arith.constant 256 : i32
    %mul3A_10 = arith.muli %add3A, %mul3A_9 : i32
    %multiple_of3A_11 = tpu.assume_multiple %mul3A_10, 256 : i32
    %add3A_12 = arith.constant 0 : i32
    %add3A_13 = arith.addi %multiple_of3A_11, %add3A_12 : i32
    %dma_start3A = arith.constant 0 : i32
    %dma_start3A_14 = arith.constant 0 : i32
    %dma_start3A_15 = tpu.memref_slice %arg7[%dma_start3A, %dma_start3A_14] : memref<4x128xi32, #tpu.memory_space<vmem>> -> memref<1x128xi32, #tpu.memory_space<vmem>>
    %dma_start3A_16 = tpu.memref_squeeze %dma_start3A_15 : memref<1x128xi32, #tpu.memory_space<vmem>> -> memref<128xi32, #tpu.memory_space<vmem>>
    %dma_start3A_17 = tpu.memref_slice %arg4[%add3A_13] : memref<8192xi32, #tpu.memory_space<hbm>> -> memref<128xi32, #tpu.memory_space<hbm>>
    %dma_start3A_18 = arith.constant 0 : i32
    %dma_start3A_19 = tpu.memref_slice %arg7[%dma_start3A, %dma_start3A_18] : memref<4x128xi32, #tpu.memory_space<vmem>> -> memref<1x128xi32, #tpu.memory_space<vmem>>
    %dma_start3A_20 = tpu.memref_squeeze %dma_start3A_19 : memref<1x128xi32, #tpu.memory_space<vmem>> -> memref<128xi32, #tpu.memory_space<vmem>>
    %dma_start3A_21 = tpu.memref_slice %arg4[%add3A_13] : memref<8192xi32, #tpu.memory_space<hbm>> -> memref<128xi32, #tpu.memory_space<hbm>>
    tpu.enqueue_dma source(%dma_start3A_21 : memref<128xi32, #tpu.memory_space<hbm>>) target(%dma_start3A_20 : memref<128xi32, #tpu.memory_space<vmem>>) target_semaphore(%arg19 : memref<!tpu.dma_semaphore, #tpu.memory_space<semaphore_mem>>)
    %add3A_22 = arith.constant 0 : i32
    %add3A_23 = arith.addi %multiple_of3A_11, %add3A_22 : i32
    %dma_start3A_24 = arith.constant 2 : i32
    %dma_start3A_25 = arith.constant 0 : i32
    %dma_start3A_26 = tpu.memref_slice %arg7[%dma_start3A_24, %dma_start3A_25] : memref<4x128xi32, #tpu.memory_space<vmem>> -> memref<1x128xi32, #tpu.memory_space<vmem>>
    %dma_start3A_27 = tpu.memref_squeeze %dma_start3A_26 : memref<1x128xi32, #tpu.memory_space<vmem>> -> memref<128xi32, #tpu.memory_space<vmem>>
    %dma_start3A_28 = tpu.memref_slice %arg5[%add3A_23] : memref<8192xi32, #tpu.memory_space<hbm>> -> memref<128xi32, #tpu.memory_space<hbm>>
    %dma_start3A_29 = arith.constant 0 : i32
    %dma_start3A_30 = tpu.memref_slice %arg7[%dma_start3A_24, %dma_start3A_29] : memref<4x128xi32, #tpu.memory_space<vmem>> -> memref<1x128xi32, #tpu.memory_space<vmem>>
    %dma_start3A_31 = tpu.memref_squeeze %dma_start3A_30 : memref<1x128xi32, #tpu.memory_space<vmem>> -> memref<128xi32, #tpu.memory_space<vmem>>
    %dma_start3A_32 = tpu.memref_slice %arg5[%add3A_23] : memref<8192xi32, #tpu.memory_space<hbm>> -> memref<128xi32, #tpu.memory_space<hbm>>
    tpu.enqueue_dma source(%dma_start3A_32 : memref<128xi32, #tpu.memory_space<hbm>>) target(%dma_start3A_31 : memref<128xi32, #tpu.memory_space<vmem>>) target_semaphore(%arg19 : memref<!tpu.dma_semaphore, #tpu.memory_space<semaphore_mem>>)
    %add3A_33 = arith.constant 128 : i32
    %add3A_34 = arith.addi %multiple_of3A_11, %add3A_33 : i32
    %dma_start3A_35 = arith.constant 1 : i32
    %dma_start3A_36 = arith.constant 0 : i32
    %dma_start3A_37 = tpu.memref_slice %arg7[%dma_start3A_35, %dma_start3A_36] : memref<4x128xi32, #tpu.memory_space<vmem>> -> memref<1x128xi32, #tpu.memory_space<vmem>>
    %dma_start3A_38 = tpu.memref_squeeze %dma_start3A_37 : memref<1x128xi32, #tpu.memory_space<vmem>> -> memref<128xi32, #tpu.memory_space<vmem>>
    %dma_start3A_39 = tpu.memref_slice %arg4[%add3A_34] : memref<8192xi32, #tpu.memory_space<hbm>> -> memref<128xi32, #tpu.memory_space<hbm>>
    %dma_start3A_40 = arith.constant 0 : i32
    %dma_start3A_41 = tpu.memref_slice %arg7[%dma_start3A_35, %dma_start3A_40] : memref<4x128xi32, #tpu.memory_space<vmem>> -> memref<1x128xi32, #tpu.memory_space<vmem>>
    %dma_start3A_42 = tpu.memref_squeeze %dma_start3A_41 : memref<1x128xi32, #tpu.memory_space<vmem>> -> memref<128xi32, #tpu.memory_space<vmem>>
    %dma_start3A_43 = tpu.memref_slice %arg4[%add3A_34] : memref<8192xi32, #tpu.memory_space<hbm>> -> memref<128xi32, #tpu.memory_space<hbm>>
    tpu.enqueue_dma source(%dma_start3A_43 : memref<128xi32, #tpu.memory_space<hbm>>) target(%dma_start3A_42 : memref<128xi32, #tpu.memory_space<vmem>>) target_semaphore(%arg19 : memref<!tpu.dma_semaphore, #tpu.memory_space<semaphore_mem>>)
    %add3A_44 = arith.constant 128 : i32
    %add3A_45 = arith.addi %multiple_of3A_11, %add3A_44 : i32
    %dma_start3A_46 = arith.constant 3 : i32
    %dma_start3A_47 = arith.constant 0 : i32
    %dma_start3A_48 = tpu.memref_slice %arg7[%dma_start3A_46, %dma_start3A_47] : memref<4x128xi32, #tpu.memory_space<vmem>> -> memref<1x128xi32, #tpu.memory_space<vmem>>
    %dma_start3A_49 = tpu.memref_squeeze %dma_start3A_48 : memref<1x128xi32, #tpu.memory_space<vmem>> -> memref<128xi32, #tpu.memory_space<vmem>>
    %dma_start3A_50 = tpu.memref_slice %arg5[%add3A_45] : memref<8192xi32, #tpu.memory_space<hbm>> -> memref<128xi32, #tpu.memory_space<hbm>>
    %dma_start3A_51 = arith.constant 0 : i32
    %dma_start3A_52 = tpu.memref_slice %arg7[%dma_start3A_46, %dma_start3A_51] : memref<4x128xi32, #tpu.memory_space<vmem>> -> memref<1x128xi32, #tpu.memory_space<vmem>>
    %dma_start3A_53 = tpu.memref_squeeze %dma_start3A_52 : memref<1x128xi32, #tpu.memory_space<vmem>> -> memref<128xi32, #tpu.memory_space<vmem>>
    %dma_start3A_54 = tpu.memref_slice %arg5[%add3A_45] : memref<8192xi32, #tpu.memory_space<hbm>> -> memref<128xi32, #tpu.memory_space<hbm>>
    tpu.enqueue_dma source(%dma_start3A_54 : memref<128xi32, #tpu.memory_space<hbm>>) target(%dma_start3A_53 : memref<128xi32, #tpu.memory_space<vmem>>) target_semaphore(%arg19 : memref<!tpu.dma_semaphore, #tpu.memory_space<semaphore_mem>>)
    %dma_wait3A = arith.constant 0 : i32
    %dma_wait3A_55 = arith.constant 0 : i32
    %dma_wait3A_56 = tpu.memref_slice %arg7[%dma_wait3A, %dma_wait3A_55] : memref<4x128xi32, #tpu.memory_space<vmem>> -> memref<1x128xi32, #tpu.memory_space<vmem>>
    %dma_wait3A_57 = tpu.memref_squeeze %dma_wait3A_56 : memref<1x128xi32, #tpu.memory_space<vmem>> -> memref<128xi32, #tpu.memory_space<vmem>>
    %dma_wait3A_58 = arith.constant 0 : i32
    %dma_wait3A_59 = tpu.memref_slice %arg4[%dma_wait3A_58] : memref<8192xi32, #tpu.memory_space<hbm>> -> memref<128xi32, #tpu.memory_space<hbm>>
    %dma_wait3A_60 = arith.constant 0 : i32
    %dma_wait3A_61 = tpu.memref_slice %arg7[%dma_wait3A, %dma_wait3A_60] : memref<4x128xi32, #tpu.memory_space<vmem>> -> memref<1x128xi32, #tpu.memory_space<vmem>>
    %dma_wait3A_62 = tpu.memref_squeeze %dma_wait3A_61 : memref<1x128xi32, #tpu.memory_space<vmem>> -> memref<128xi32, #tpu.memory_space<vmem>>
    %dma_wait3A_63 = arith.constant 0 : i32
    %dma_wait3A_64 = tpu.memref_slice %arg4[%dma_wait3A_63] : memref<8192xi32, #tpu.memory_space<hbm>> -> memref<128xi32, #tpu.memory_space<hbm>>
    tpu.wait_dma2 semaphore(%arg19 : memref<!tpu.dma_semaphore, #tpu.memory_space<semaphore_mem>>) src(%dma_wait3A_64 : memref<128xi32, #tpu.memory_space<hbm>>) dst(%dma_wait3A_62 : memref<128xi32, #tpu.memory_space<vmem>>)
    %dma_wait3A_65 = arith.constant 0 : i32
    %dma_wait3A_66 = arith.constant 0 : i32
    %dma_wait3A_67 = tpu.memref_slice %arg7[%dma_wait3A_65, %dma_wait3A_66] : memref<4x128xi32, #tpu.memory_space<vmem>> -> memref<1x128xi32, #tpu.memory_space<vmem>>
    %dma_wait3A_68 = tpu.memref_squeeze %dma_wait3A_67 : memref<1x128xi32, #tpu.memory_space<vmem>> -> memref<128xi32, #tpu.memory_space<vmem>>
    %dma_wait3A_69 = arith.constant 0 : i32
    %dma_wait3A_70 = tpu.memref_slice %arg4[%dma_wait3A_69] : memref<8192xi32, #tpu.memory_space<hbm>> -> memref<128xi32, #tpu.memory_space<hbm>>
    %dma_wait3A_71 = arith.constant 0 : i32
    %dma_wait3A_72 = tpu.memref_slice %arg7[%dma_wait3A_65, %dma_wait3A_71] : memref<4x128xi32, #tpu.memory_space<vmem>> -> memref<1x128xi32, #tpu.memory_space<vmem>>
    %dma_wait3A_73 = tpu.memref_squeeze %dma_wait3A_72 : memref<1x128xi32, #tpu.memory_space<vmem>> -> memref<128xi32, #tpu.memory_space<vmem>>
    %dma_wait3A_74 = arith.constant 0 : i32
    %dma_wait3A_75 = tpu.memref_slice %arg4[%dma_wait3A_74] : memref<8192xi32, #tpu.memory_space<hbm>> -> memref<128xi32, #tpu.memory_space<hbm>>
    tpu.wait_dma2 semaphore(%arg19 : memref<!tpu.dma_semaphore, #tpu.memory_space<semaphore_mem>>) src(%dma_wait3A_75 : memref<128xi32, #tpu.memory_space<hbm>>) dst(%dma_wait3A_73 : memref<128xi32, #tpu.memory_space<vmem>>)
    %dma_wait3A_76 = arith.constant 0 : i32
    %dma_wait3A_77 = arith.constant 0 : i32
    %dma_wait3A_78 = tpu.memref_slice %arg7[%dma_wait3A_76, %dma_wait3A_77] : memref<4x128xi32, #tpu.memory_space<vmem>> -> memref<1x128xi32, #tpu.memory_space<vmem>>
    %dma_wait3A_79 = tpu.memref_squeeze %dma_wait3A_78 : memref<1x128xi32, #tpu.memory_space<vmem>> -> memref<128xi32, #tpu.memory_space<vmem>>
    %dma_wait3A_80 = arith.constant 0 : i32
    %dma_wait3A_81 = tpu.memref_slice %arg4[%dma_wait3A_80] : memref<8192xi32, #tpu.memory_space<hbm>> -> memref<128xi32, #tpu.memory_space<hbm>>
    %dma_wait3A_82 = arith.constant 0 : i32
    %dma_wait3A_83 = tpu.memref_slice %arg7[%dma_wait3A_76, %dma_wait3A_82] : memref<4x128xi32, #tpu.memory_space<vmem>> -> memref<1x128xi32, #tpu.memory_space<vmem>>
    %dma_wait3A_84 = tpu.memref_squeeze %dma_wait3A_83 : memref<1x128xi32, #tpu.memory_space<vmem>> -> memref<128xi32, #tpu.memory_space<vmem>>
    %dma_wait3A_85 = arith.constant 0 : i32
    %dma_wait3A_86 = tpu.memref_slice %arg4[%dma_wait3A_85] : memref<8192xi32, #tpu.memory_space<hbm>> -> memref<128xi32, #tpu.memory_space<hbm>>
    tpu.wait_dma2 semaphore(%arg19 : memref<!tpu.dma_semaphore, #tpu.memory_space<semaphore_mem>>) src(%dma_wait3A_86 : memref<128xi32, #tpu.memory_space<hbm>>) dst(%dma_wait3A_84 : memref<128xi32, #tpu.memory_space<vmem>>)
    %dma_wait3A_87 = arith.constant 0 : i32
    %dma_wait3A_88 = arith.constant 0 : i32
    %dma_wait3A_89 = tpu.memref_slice %arg7[%dma_wait3A_87, %dma_wait3A_88] : memref<4x128xi32, #tpu.memory_space<vmem>> -> memref<1x128xi32, #tpu.memory_space<vmem>>
    %dma_wait3A_90 = tpu.memref_squeeze %dma_wait3A_89 : memref<1x128xi32, #tpu.memory_space<vmem>> -> memref<128xi32, #tpu.memory_space<vmem>>
    %dma_wait3A_91 = arith.constant 0 : i32
    %dma_wait3A_92 = tpu.memref_slice %arg4[%dma_wait3A_91] : memref<8192xi32, #tpu.memory_space<hbm>> -> memref<128xi32, #tpu.memory_space<hbm>>
    %dma_wait3A_93 = arith.constant 0 : i32
    %dma_wait3A_94 = tpu.memref_slice %arg7[%dma_wait3A_87, %dma_wait3A_93] : memref<4x128xi32, #tpu.memory_space<vmem>> -> memref<1x128xi32, #tpu.memory_space<vmem>>
    %dma_wait3A_95 = tpu.memref_squeeze %dma_wait3A_94 : memref<1x128xi32, #tpu.memory_space<vmem>> -> memref<128xi32, #tpu.memory_space<vmem>>
    %dma_wait3A_96 = arith.constant 0 : i32
    %dma_wait3A_97 = tpu.memref_slice %arg4[%dma_wait3A_96] : memref<8192xi32, #tpu.memory_space<hbm>> -> memref<128xi32, #tpu.memory_space<hbm>>
    tpu.wait_dma2 semaphore(%arg19 : memref<!tpu.dma_semaphore, #tpu.memory_space<semaphore_mem>>) src(%dma_wait3A_97 : memref<128xi32, #tpu.memory_space<hbm>>) dst(%dma_wait3A_95 : memref<128xi32, #tpu.memory_space<vmem>>)
    %dma_start3A_98 = arith.constant 0 : i32
    %dma_start3A_99 = arith.constant 0 : i32
    %dma_start3A_100 = arith.constant 0 : i32
    %dma_start3A_101 = arith.constant 0 : i32
    %dma_start3A_102 = tpu.memref_slice %arg9[%dma_start3A_99, %dma_start3A_100, %dma_start3A_101] : memref<2x128x128xf32, #tpu.memory_space<vmem>> -> memref<1x128x128xf32, #tpu.memory_space<vmem>>
    %dma_start3A_103 = tpu.memref_squeeze %dma_start3A_102 : memref<1x128x128xf32, #tpu.memory_space<vmem>> -> memref<128x128xf32, #tpu.memory_space<vmem>>
    %dma_start3A_104 = arith.constant 0 : i32
    %dma_start3A_105 = tpu.memref_slice %arg7[%dma_start3A_98, %dma_start3A_104] : memref<4x128xi32, #tpu.memory_space<vmem>> -> memref<1x128xi32, #tpu.memory_space<vmem>>
    %dma_start3A_106 = tpu.memref_squeeze %dma_start3A_105 : memref<1x128xi32, #tpu.memory_space<vmem>> -> memref<128xi32, #tpu.memory_space<vmem>>
    %dma_start3A_107 = arith.constant 0 : i32
    %dma_start3A_108 = arith.constant 0 : i32
    %dma_start3A_109 = tpu.memref_slice %arg2[%dma_start3A_107, %dma_start3A_108] : memref<100000x128xf32, #tpu.memory_space<hbm>> -> memref<100000x128xf32, #tpu.memory_space<hbm>>
    tpu.enqueue_indirect_dma source(%dma_start3A_109 : memref<100000x128xf32, #tpu.memory_space<hbm>>) target(%dma_start3A_103 : memref<128x128xf32, #tpu.memory_space<vmem>>) offsets(%dma_start3A_106 : memref<128xi32, #tpu.memory_space<vmem>>) semaphore(%arg18 : memref<!tpu.dma_semaphore, #tpu.memory_space<semaphore_mem>>)
    %dma_start3A_110 = arith.constant 1 : i32
    %dma_start3A_111 = arith.constant 1 : i32
    %dma_start3A_112 = arith.constant 0 : i32
    %dma_start3A_113 = arith.constant 0 : i32
    %dma_start3A_114 = tpu.memref_slice %arg9[%dma_start3A_111, %dma_start3A_112, %dma_start3A_113] : memref<2x128x128xf32, #tpu.memory_space<vmem>> -> memref<1x128x128xf32, #tpu.memory_space<vmem>>
    %dma_start3A_115 = tpu.memref_squeeze %dma_start3A_114 : memref<1x128x128xf32, #tpu.memory_space<vmem>> -> memref<128x128xf32, #tpu.memory_space<vmem>>
    %dma_start3A_116 = arith.constant 0 : i32
    %dma_start3A_117 = tpu.memref_slice %arg7[%dma_start3A_110, %dma_start3A_116] : memref<4x128xi32, #tpu.memory_space<vmem>> -> memref<1x128xi32, #tpu.memory_space<vmem>>
    %dma_start3A_118 = tpu.memref_squeeze %dma_start3A_117 : memref<1x128xi32, #tpu.memory_space<vmem>> -> memref<128xi32, #tpu.memory_space<vmem>>
    %dma_start3A_119 = arith.constant 0 : i32
    %dma_start3A_120 = arith.constant 0 : i32
    %dma_start3A_121 = tpu.memref_slice %arg2[%dma_start3A_119, %dma_start3A_120] : memref<100000x128xf32, #tpu.memory_space<hbm>> -> memref<100000x128xf32, #tpu.memory_space<hbm>>
    tpu.enqueue_indirect_dma source(%dma_start3A_121 : memref<100000x128xf32, #tpu.memory_space<hbm>>) target(%dma_start3A_115 : memref<128x128xf32, #tpu.memory_space<vmem>>) offsets(%dma_start3A_118 : memref<128xi32, #tpu.memory_space<vmem>>) semaphore(%arg18 : memref<!tpu.dma_semaphore, #tpu.memory_space<semaphore_mem>>)
    %dma_start3A_122 = arith.constant 2 : i32
    %dma_start3A_123 = arith.constant 0 : i32
    %dma_start3A_124 = tpu.memref_slice %arg7[%dma_start3A_122, %dma_start3A_123] : memref<4x128xi32, #tpu.memory_space<vmem>> -> memref<1x128xi32, #tpu.memory_space<vmem>>
    %dma_start3A_125 = tpu.memref_squeeze %dma_start3A_124 : memref<1x128xi32, #tpu.memory_space<vmem>> -> memref<128xi32, #tpu.memory_space<vmem>>
    %dma_start3A_126 = arith.constant 0 : i32
    %dma_start3A_127 = arith.constant 0 : i32
    %dma_start3A_128 = tpu.memref_slice %arg2[%dma_start3A_126, %dma_start3A_127] : memref<100000x128xf32, #tpu.memory_space<hbm>> -> memref<100000x128xf32, #tpu.memory_space<hbm>>
    tpu.enqueue_indirect_dma source(%dma_start3A_128 : memref<100000x128xf32, #tpu.memory_space<hbm>>) target(%arg10 : memref<128x128xf32, #tpu.memory_space<vmem>>) offsets(%dma_start3A_125 : memref<128xi32, #tpu.memory_space<vmem>>) semaphore(%arg22 : memref<!tpu.dma_semaphore, #tpu.memory_space<semaphore_mem>>)
    %scan3A = arith.constant 0 : i32
    %scan3A_129 = arith.constant 0 : i32
    %scan3A_130 = arith.constant 256 : i32
    %scan3A_131 = arith.addi %scan3A_129, %scan3A_130 : i32
    %scan3A_132 = arith.constant 1 : i32
    %scan3A_133 = scf.for %scan3A_539 = %scan3A_129 to %scan3A_131 step %scan3A_132 iter_args(%scan3A_540 = %scan3A) -> (i32)  : i32 {
      %broadcast_in_dim3A_541 = arith.constant 0.000000e+00 : f32
      %broadcast_in_dim3A_542 = vector.broadcast %broadcast_in_dim3A_541 : f32 to vector<16xf32>
      %jit3A_543 = arith.constant 8 : i32
      %div3A_544 = arith.divsi %scan3A_539, %jit3A_543 : i32
      %sign3A_545 = arith.constant 0 : i32
      %sign3A_546 = arith.cmpi sgt, %scan3A_539, %sign3A_545 : i32
      %sign3A_547 = arith.extui %sign3A_546 : i1 to i32
      %sign3A_548 = arith.constant 0 : i32
      %sign3A_549 = arith.cmpi slt, %scan3A_539, %sign3A_548 : i32
      %sign3A_550 = arith.extui %sign3A_549 : i1 to i32
      %sign3A_551 = arith.subi %sign3A_547, %sign3A_550 : i32
      %sign3A_552 = arith.constant 0 : i32
      %sign3A_553 = arith.cmpi sgt, %jit3A_543, %sign3A_552 : i32
      %sign3A_554 = arith.extui %sign3A_553 : i1 to i32
      %sign3A_555 = arith.constant 0 : i32
      %sign3A_556 = arith.cmpi slt, %jit3A_543, %sign3A_555 : i32
      %sign3A_557 = arith.extui %sign3A_556 : i1 to i32
      %sign3A_558 = arith.subi %sign3A_554, %sign3A_557 : i32
      %ne3A_559 = arith.cmpi ne, %sign3A_551, %sign3A_558 : i32
      %rem3A_560 = arith.remsi %scan3A_539, %jit3A_543 : i32
      %ne3A_561 = arith.constant 0 : i32
      %ne3A_562 = arith.cmpi ne, %rem3A_560, %ne3A_561 : i32
      %and3A_563 = arith.andi %ne3A_559, %ne3A_562 : i1
      %sub3A_564 = arith.constant 1 : i32
      %sub3A_565 = arith.subi %div3A_544, %sub3A_564 : i32
      %select_n3A_566 = arith.select %and3A_563, %sub3A_565, %div3A_544 : i32
      %jit3A_567 = arith.constant 8 : i32
      %eq3A_568 = arith.constant 0 : i32
      %eq3A_569 = arith.cmpi eq, %jit3A_567, %eq3A_568 : i32
      %jit3A_570 = arith.constant 1 : i32
      %select_n3A_571 = arith.select %eq3A_569, %jit3A_570, %jit3A_567 : i32
      %rem3A_572 = arith.remsi %scan3A_539, %select_n3A_571 : i32
      %ne3A_573 = arith.constant 0 : i32
      %ne3A_574 = arith.cmpi ne, %rem3A_572, %ne3A_573 : i32
      %lt3A_575 = arith.constant 0 : i32
      %lt3A_576 = arith.cmpi slt, %rem3A_572, %lt3A_575 : i32
      %lt3A_577 = arith.constant 0 : i32
      %lt3A_578 = arith.cmpi slt, %select_n3A_571, %lt3A_577 : i32
      %ne3A_579 = arith.xori %lt3A_576, %lt3A_578 : i1
      %and3A_580 = arith.andi %ne3A_579, %ne3A_574 : i1
      %add3A_581 = arith.addi %rem3A_572, %select_n3A_571 : i32
      %select_n3A_582 = arith.select %and3A_580, %add3A_581, %rem3A_572 : i32
      %mul3A_583 = arith.constant 16 : i32
      %mul3A_584 = arith.muli %select_n3A_582, %mul3A_583 : i32
      %swap3A_585 = arith.index_cast %select_n3A_566 : i32 to index
      %swap3A_586 = arith.index_cast %mul3A_584 : i32 to index
      %swap3A_587 = tpu.vector_load %arg13[%swap3A_585, %swap3A_586] {strides = array<i32>} : memref<32x128xf32, #tpu.memory_space<vmem>>, vector<16xf32>,
      tpu.vector_store %arg13[%swap3A_585, %swap3A_586], %broadcast_in_dim3A_542 {strides = array<i32>} : memref<32x128xf32, #tpu.memory_space<vmem>>, vector<16xf32>,
      %scan3A_588 = arith.constant 0 : i32
      scf.yield %scan3A_588 : i32
    }
    %scan3A_134 = arith.constant 256 : i32
    %mul3A_135 = arith.constant 512 : i32
    %mul3A_136 = arith.muli %arg1, %mul3A_135 : i32
    %multiple_of3A_137 = tpu.assume_multiple %mul3A_136, 512 : i32
    %scan3A_138 = arith.constant 0 : i32
    %scan3A_139 = arith.constant 0 : i32
    %scan3A_140 = arith.constant 16 : i32
    %scan3A_141 = arith.addi %scan3A_139, %scan3A_140 : i32
    %scan3A_142 = arith.constant 1 : i32
    %scan3A_143 = scf.for %scan3A_539 = %scan3A_139 to %scan3A_141 step %scan3A_142 iter_args(%scan3A_540 = %scan3A_138) -> (i32)  : i32 {
      %mul3A_541 = arith.constant 32 : i32
      %mul3A_542 = arith.muli %scan3A_539, %mul3A_541 : i32
      %add3A_543 = arith.addi %multiple_of3A_137, %mul3A_542 : i32
      %multiple_of3A_544 = tpu.assume_multiple %add3A_543, 32 : i32
      "tpu.region"() ({
        %run_scoped3A_546 = tpu.sem_alloc : memref<!tpu.dma_semaphore, #tpu.memory_space<semaphore_mem>>
        %dma_start3A_547 = arith.constant 0 : i32
        %dma_start3A_548 = tpu.memref_slice %arg16[%multiple_of3A_544, %dma_start3A_547] : memref<8192x128xf32, #tpu.memory_space<vmem_shared>> -> memref<32x128xf32, #tpu.memory_space<vmem_shared>>
        %dma_start3A_549 = arith.constant 0 : i32
        %dma_start3A_550 = tpu.memref_slice %arg16[%multiple_of3A_544, %dma_start3A_549] : memref<8192x128xf32, #tpu.memory_space<vmem_shared>> -> memref<32x128xf32, #tpu.memory_space<vmem_shared>>
        tpu.enqueue_dma source(%arg13 : memref<32x128xf32, #tpu.memory_space<vmem>>) target(%dma_start3A_550 : memref<32x128xf32, #tpu.memory_space<vmem_shared>>) target_semaphore(%run_scoped3A_546 : memref<!tpu.dma_semaphore, #tpu.memory_space<semaphore_mem>>)
        %dma_wait3A_551 = arith.constant 0 : i32
        %dma_wait3A_552 = tpu.memref_slice %arg16[%multiple_of3A_544, %dma_wait3A_551] : memref<8192x128xf32, #tpu.memory_space<vmem_shared>> -> memref<32x128xf32, #tpu.memory_space<vmem_shared>>
        %dma_wait3A_553 = arith.constant 0 : i32
        %dma_wait3A_554 = tpu.memref_slice %arg16[%multiple_of3A_544, %dma_wait3A_553] : memref<8192x128xf32, #tpu.memory_space<vmem_shared>> -> memref<32x128xf32, #tpu.memory_space<vmem_shared>>
        tpu.wait_dma2 semaphore(%run_scoped3A_546 : memref<!tpu.dma_semaphore, #tpu.memory_space<semaphore_mem>>) src(%arg13 : memref<32x128xf32, #tpu.memory_space<vmem>>) dst(%dma_wait3A_554 : memref<32x128xf32, #tpu.memory_space<vmem_shared>>)
        tpu.yield
      }) : () -> ()
      %scan3A_545 = arith.constant 0 : i32
      scf.yield %scan3A_545 : i32
    }
    %scan3A_144 = arith.constant 16 : i32
    %broadcast_in_dim3A = arith.constant 0 : i32
    %broadcast_in_dim3A_145 = vector.broadcast %broadcast_in_dim3A : i32 to vector<16xi32>
    %lt3A_146 = arith.constant 15 : i32
    %lt3A_147 = arith.cmpi slt, %arg1, %lt3A_146 : i32
    %convert_element_type3A_148 = arith.extui %lt3A_147 : i1 to i32
    %cond3A_149 = arith.constant 0 : i32
    %cond3A_150 = arith.cmpi ne, %convert_element_type3A_148, %cond3A_149 : i32
    scf.if %cond3A_150 {
      %dma_wait3A_539 = arith.constant 0 : i32
      %dma_wait3A_540 = tpu.memref_slice %arg3[%dma_wait3A_539] : memref<100000xi32, #tpu.memory_space<hbm>> -> memref<6272xi32, #tpu.memory_space<hbm>>
      %dma_wait3A_541 = arith.constant 0 : i32
      %dma_wait3A_542 = tpu.memref_slice %arg3[%dma_wait3A_541] : memref<100000xi32, #tpu.memory_space<hbm>> -> memref<6272xi32, #tpu.memory_space<hbm>>
      tpu.wait_dma2 semaphore(%arg21 : memref<!tpu.dma_semaphore, #tpu.memory_space<semaphore_mem>>) src(%dma_wait3A_542 : memref<6272xi32, #tpu.memory_space<hbm>>) dst(%arg11 : memref<6272xi32, #tpu.memory_space<vmem>>)
    } else {
    }
    %eq3A_151 = arith.constant 15 : i32
    %eq3A_152 = arith.cmpi eq, %arg1, %eq3A_151 : i32
    %convert_element_type3A_153 = arith.extui %eq3A_152 : i1 to i32
    %cond3A_154 = arith.constant 0 : i32
    %cond3A_155 = arith.cmpi ne, %convert_element_type3A_153, %cond3A_154 : i32
    scf.if %cond3A_155 {
      %dma_wait3A_539 = arith.constant 0 : i32
      %dma_wait3A_540 = tpu.memref_slice %arg11[%dma_wait3A_539] : memref<6272xi32, #tpu.memory_space<vmem>> -> memref<5920xi32, #tpu.memory_space<vmem>>
      %dma_wait3A_541 = arith.constant 0 : i32
      %dma_wait3A_542 = tpu.memref_slice %arg3[%dma_wait3A_541] : memref<100000xi32, #tpu.memory_space<hbm>> -> memref<5920xi32, #tpu.memory_space<hbm>>
      %dma_wait3A_543 = arith.constant 0 : i32
      %dma_wait3A_544 = tpu.memref_slice %arg11[%dma_wait3A_543] : memref<6272xi32, #tpu.memory_space<vmem>> -> memref<5920xi32, #tpu.memory_space<vmem>>
      %dma_wait3A_545 = arith.constant 0 : i32
      %dma_wait3A_546 = tpu.memref_slice %arg3[%dma_wait3A_545] : memref<100000xi32, #tpu.memory_space<hbm>> -> memref<5920xi32, #tpu.memory_space<hbm>>
      tpu.wait_dma2 semaphore(%arg21 : memref<!tpu.dma_semaphore, #tpu.memory_space<semaphore_mem>>) src(%dma_wait3A_546 : memref<5920xi32, #tpu.memory_space<hbm>>) dst(%dma_wait3A_544 : memref<5920xi32, #tpu.memory_space<vmem>>)
      %dma_wait3A_547 = arith.constant 0 : i32
      %dma_wait3A_548 = tpu.memref_slice %arg11[%dma_wait3A_547] : memref<6272xi32, #tpu.memory_space<vmem>> -> memref<32xi32, #tpu.memory_space<vmem>>
      %dma_wait3A_549 = arith.constant 0 : i32
      %dma_wait3A_550 = tpu.memref_slice %arg3[%dma_wait3A_549] : memref<100000xi32, #tpu.memory_space<hbm>> -> memref<32xi32, #tpu.memory_space<hbm>>
      %dma_wait3A_551 = arith.constant 0 : i32
      %dma_wait3A_552 = tpu.memref_slice %arg11[%dma_wait3A_551] : memref<6272xi32, #tpu.memory_space<vmem>> -> memref<32xi32, #tpu.memory_space<vmem>>
      %dma_wait3A_553 = arith.constant 0 : i32
      %dma_wait3A_554 = tpu.memref_slice %arg3[%dma_wait3A_553] : memref<100000xi32, #tpu.memory_space<hbm>> -> memref<32xi32, #tpu.memory_space<hbm>>
      tpu.wait_dma2 semaphore(%arg21 : memref<!tpu.dma_semaphore, #tpu.memory_space<semaphore_mem>>) src(%dma_wait3A_554 : memref<32xi32, #tpu.memory_space<hbm>>) dst(%dma_wait3A_552 : memref<32xi32, #tpu.memory_space<vmem>>)
    } else {
    }
    %lt3A_156 = arith.constant 15 : i32
    %lt3A_157 = arith.cmpi slt, %arg1, %lt3A_156 : i32
    %jit3A = arith.constant 392 : i32
    %jit3A_158 = arith.constant 372 : i32
    %select_n3A = arith.select %lt3A_157, %jit3A, %jit3A_158 : i32
    %while3A = arith.constant 0 : i32
    %while3A_159 = arith.subi %select_n3A, %while3A : i32
    %while3A_160 = arith.addi %while3A, %while3A_159 : i32
    %while3A_161 = arith.constant 1 : i32
    %while3A_162 = arith.divsi %while3A_159, %while3A_161 : i32
    %while3A_163 = arith.muli %while3A_162, %while3A_161 : i32
    %while3A_164 = arith.addi %while3A, %while3A_163 : i32
    %while3A_165 = arith.constant 1 : i32
    %while3A_166 = scf.for %while3A_539 = %while3A to %while3A_164 step %while3A_165 iter_args(%while3A_540 = %broadcast_in_dim3A_145) -> (vector<16xi32>)  : i32 {
      %mul3A_541 = arith.constant 16 : i32
      %mul3A_542 = arith.muli %while3A_539, %mul3A_541 : i32
      %get3A = arith.index_cast %mul3A_542 : i32 to index
      %get3A_543 = tpu.vector_load %arg11[%get3A] {strides = array<i32>} : memref<6272xi32, #tpu.memory_space<vmem>>, vector<16xi32>,
      %lt3A_544 = arith.constant 4096 : i32
      %lt3A_545 = vector.broadcast %lt3A_544 : i32 to vector<16xi32>
      %lt3A_546 = arith.cmpi slt, %get3A_543, %lt3A_545 : vector<16xi32>
      %jit3A_547 = arith.constant 1 : i32
      %jit3A_548 = arith.constant 0 : i32
      %broadcast_in_dim3A_549 = vector.broadcast %jit3A_547 : i32 to vector<16xi32>
      %broadcast_in_dim3A_550 = vector.broadcast %jit3A_548 : i32 to vector<16xi32>
      %select_n3A_551 = arith.select %lt3A_546, %broadcast_in_dim3A_549, %broadcast_in_dim3A_550 : vector<16xi1>, vector<16xi32>
      %add3A_552 = arith.addi %while3A_540, %select_n3A_551 : vector<16xi32>
      scf.yield %add3A_552 : vector<16xi32>
    }
    %while3A_167 = arith.constant 1 : i32
    %while3A_168 = scf.for %while3A_539 = %while3A_164 to %while3A_160 step %while3A_167 iter_args(%while3A_540 = %while3A_166) -> (vector<16xi32>)  : i32 {
      %mul3A_541 = arith.constant 16 : i32
      %mul3A_542 = arith.muli %while3A_539, %mul3A_541 : i32
      %get3A = arith.index_cast %mul3A_542 : i32 to index
      %get3A_543 = tpu.vector_load %arg11[%get3A] {strides = array<i32>} : memref<6272xi32, #tpu.memory_space<vmem>>, vector<16xi32>,
      %lt3A_544 = arith.constant 4096 : i32
      %lt3A_545 = vector.broadcast %lt3A_544 : i32 to vector<16xi32>
      %lt3A_546 = arith.cmpi slt, %get3A_543, %lt3A_545 : vector<16xi32>
      %jit3A_547 = arith.constant 1 : i32
      %jit3A_548 = arith.constant 0 : i32
      %broadcast_in_dim3A_549 = vector.broadcast %jit3A_547 : i32 to vector<16xi32>
      %broadcast_in_dim3A_550 = vector.broadcast %jit3A_548 : i32 to vector<16xi32>
      %select_n3A_551 = arith.select %lt3A_546, %broadcast_in_dim3A_549, %broadcast_in_dim3A_550 : vector<16xi1>, vector<16xi32>
      %add3A_552 = arith.addi %while3A_540, %select_n3A_551 : vector<16xi32>
      scf.yield %add3A_552 : vector<16xi32>
    }
    %swap3A = arith.constant 0 : index
    %swap3A_169 = tpu.vector_load %arg14[%swap3A] {strides = array<i32>} : memref<128xi32, #tpu.memory_space<vmem>>, vector<16xi32>,
    tpu.vector_store %arg14[%swap3A], %while3A_168 {strides = array<i32>} : memref<128xi32, #tpu.memory_space<vmem>>, vector<16xi32>,
    %swap3A_170 = arith.constant 16 : index
    %swap3A_171 = tpu.vector_load %arg14[%swap3A_170] {strides = array<i32>} : memref<128xi32, #tpu.memory_space<vmem>>, vector<16xi32>,
    tpu.vector_store %arg14[%swap3A_170], %while3A_168 {strides = array<i32>} : memref<128xi32, #tpu.memory_space<vmem>>, vector<16xi32>,
    %swap3A_172 = arith.constant 32 : index
    %swap3A_173 = tpu.vector_load %arg14[%swap3A_172] {strides = array<i32>} : memref<128xi32, #tpu.memory_space<vmem>>, vector<16xi32>,
    tpu.vector_store %arg14[%swap3A_172], %while3A_168 {strides = array<i32>} : memref<128xi32, #tpu.memory_space<vmem>>, vector<16xi32>,
    %swap3A_174 = arith.constant 48 : index
    %swap3A_175 = tpu.vector_load %arg14[%swap3A_174] {strides = array<i32>} : memref<128xi32, #tpu.memory_space<vmem>>, vector<16xi32>,
    tpu.vector_store %arg14[%swap3A_174], %while3A_168 {strides = array<i32>} : memref<128xi32, #tpu.memory_space<vmem>>, vector<16xi32>,
    %swap3A_176 = arith.constant 64 : index
    %swap3A_177 = tpu.vector_load %arg14[%swap3A_176] {strides = array<i32>} : memref<128xi32, #tpu.memory_space<vmem>>, vector<16xi32>,
    tpu.vector_store %arg14[%swap3A_176], %while3A_168 {strides = array<i32>} : memref<128xi32, #tpu.memory_space<vmem>>, vector<16xi32>,
    %swap3A_178 = arith.constant 80 : index
    %swap3A_179 = tpu.vector_load %arg14[%swap3A_178] {strides = array<i32>} : memref<128xi32, #tpu.memory_space<vmem>>, vector<16xi32>,
    tpu.vector_store %arg14[%swap3A_178], %while3A_168 {strides = array<i32>} : memref<128xi32, #tpu.memory_space<vmem>>, vector<16xi32>,
    %swap3A_180 = arith.constant 96 : index
    %swap3A_181 = tpu.vector_load %arg14[%swap3A_180] {strides = array<i32>} : memref<128xi32, #tpu.memory_space<vmem>>, vector<16xi32>,
    tpu.vector_store %arg14[%swap3A_180], %while3A_168 {strides = array<i32>} : memref<128xi32, #tpu.memory_space<vmem>>, vector<16xi32>,
    %swap3A_182 = arith.constant 112 : index
    %swap3A_183 = tpu.vector_load %arg14[%swap3A_182] {strides = array<i32>} : memref<128xi32, #tpu.memory_space<vmem>>, vector<16xi32>,
    tpu.vector_store %arg14[%swap3A_182], %while3A_168 {strides = array<i32>} : memref<128xi32, #tpu.memory_space<vmem>>, vector<16xi32>,
    "tpu.region"() ({
      %run_scoped3A_539 = tpu.sem_alloc : memref<!tpu.dma_semaphore, #tpu.memory_space<semaphore_mem>>
      %dma_start3A_540 = arith.constant 0 : i32
      %dma_start3A_541 = tpu.memref_slice %arg17[%arg1, %dma_start3A_540] : memref<16x128xi32, #tpu.memory_space<vmem_shared>> -> memref<1x128xi32, #tpu.memory_space<vmem_shared>>
      %dma_start3A_542 = tpu.memref_squeeze %dma_start3A_541 : memref<1x128xi32, #tpu.memory_space<vmem_shared>> -> memref<128xi32, #tpu.memory_space<vmem_shared>>
      %dma_start3A_543 = arith.constant 0 : i32
      %dma_start3A_544 = tpu.memref_slice %arg17[%arg1, %dma_start3A_543] : memref<16x128xi32, #tpu.memory_space<vmem_shared>> -> memref<1x128xi32, #tpu.memory_space<vmem_shared>>
      %dma_start3A_545 = tpu.memref_squeeze %dma_start3A_544 : memref<1x128xi32, #tpu.memory_space<vmem_shared>> -> memref<128xi32, #tpu.memory_space<vmem_shared>>
      tpu.enqueue_dma source(%arg14 : memref<128xi32, #tpu.memory_space<vmem>>) target(%dma_start3A_545 : memref<128xi32, #tpu.memory_space<vmem_shared>>) target_semaphore(%run_scoped3A_539 : memref<!tpu.dma_semaphore, #tpu.memory_space<semaphore_mem>>)
      %dma_wait3A_546 = arith.constant 0 : i32
      %dma_wait3A_547 = tpu.memref_slice %arg17[%arg1, %dma_wait3A_546] : memref<16x128xi32, #tpu.memory_space<vmem_shared>> -> memref<1x128xi32, #tpu.memory_space<vmem_shared>>
      %dma_wait3A_548 = tpu.memref_squeeze %dma_wait3A_547 : memref<1x128xi32, #tpu.memory_space<vmem_shared>> -> memref<128xi32, #tpu.memory_space<vmem_shared>>
      %dma_wait3A_549 = arith.constant 0 : i32
      %dma_wait3A_550 = tpu.memref_slice %arg17[%arg1, %dma_wait3A_549] : memref<16x128xi32, #tpu.memory_space<vmem_shared>> -> memref<1x128xi32, #tpu.memory_space<vmem_shared>>
      %dma_wait3A_551 = tpu.memref_squeeze %dma_wait3A_550 : memref<1x128xi32, #tpu.memory_space<vmem_shared>> -> memref<128xi32, #tpu.memory_space<vmem_shared>>
      tpu.wait_dma2 semaphore(%run_scoped3A_539 : memref<!tpu.dma_semaphore, #tpu.memory_space<semaphore_mem>>) src(%arg14 : memref<128xi32, #tpu.memory_space<vmem>>) dst(%dma_wait3A_551 : memref<128xi32, #tpu.memory_space<vmem_shared>>)
      tpu.yield
    }) : () -> ()
    %barrier3A = arith.constant 0 : index
    tpu.barrier barrier_id(%barrier3A)
    "tpu.region"() ({
      %run_scoped3A_539 = tpu.sem_alloc : memref<!tpu.dma_semaphore, #tpu.memory_space<semaphore_mem>>
      tpu.enqueue_dma source(%arg17 : memref<16x128xi32, #tpu.memory_space<vmem_shared>>) target(%arg15 : memref<16x128xi32, #tpu.memory_space<vmem>>) target_semaphore(%run_scoped3A_539 : memref<!tpu.dma_semaphore, #tpu.memory_space<semaphore_mem>>)
      tpu.wait_dma2 semaphore(%run_scoped3A_539 : memref<!tpu.dma_semaphore, #tpu.memory_space<semaphore_mem>>) src(%arg17 : memref<16x128xi32, #tpu.memory_space<vmem_shared>>) dst(%arg15 : memref<16x128xi32, #tpu.memory_space<vmem>>)
      tpu.yield
    }) : () -> ()
    %broadcast_in_dim3A_184 = arith.constant 0 : i32
    %broadcast_in_dim3A_185 = vector.broadcast %broadcast_in_dim3A_184 : i32 to vector<16xi32>
    %scan3A_186 = arith.constant 0 : i32
    %scan3A_187 = arith.constant 16 : i32
    %scan3A_188 = arith.addi %scan3A_186, %scan3A_187 : i32
    %scan3A_189 = arith.constant 1 : i32
    %scan3A_190 = scf.for %scan3A_539 = %scan3A_186 to %scan3A_188 step %scan3A_189 iter_args(%scan3A_540 = %broadcast_in_dim3A_185) -> (vector<16xi32>)  : i32 {
      %get3A = arith.index_cast %scan3A_539 : i32 to index
      %get3A_541 = arith.constant 0 : index
      %get3A_542 = tpu.vector_load %arg15[%get3A, %get3A_541] {strides = array<i32>} : memref<16x128xi32, #tpu.memory_space<vmem>>, vector<16xi32>,
      %add3A_543 = arith.addi %scan3A_540, %get3A_542 : vector<16xi32>
      scf.yield %add3A_543 : vector<16xi32>
    }
    %scan3A_191 = arith.constant 16 : i32
    %reduce_sum3A = arith.constant true
    %reduce_sum3A_192 = vector.broadcast %reduce_sum3A : i1 to vector<16xi1>
    %reduce_sum3A_193 = tpu.scan <sum>, %scan3A_190 masked %reduce_sum3A_192 : vector<16xi32>, vector<16xi1> -> vector<16xi32>
    %reduce_sum3A_194 = vector.extract %reduce_sum3A_193[15] : i32 from vector<16xi32>
    %dma_wait3A_195 = arith.constant 0 : i32
    %dma_wait3A_196 = arith.constant 0 : i32
    %dma_wait3A_197 = arith.constant 0 : i32
    %dma_wait3A_198 = arith.constant 0 : i32
    %dma_wait3A_199 = tpu.memref_slice %arg9[%dma_wait3A_196, %dma_wait3A_197, %dma_wait3A_198] : memref<2x128x128xf32, #tpu.memory_space<vmem>> -> memref<1x128x128xf32, #tpu.memory_space<vmem>>
    %dma_wait3A_200 = tpu.memref_squeeze %dma_wait3A_199 : memref<1x128x128xf32, #tpu.memory_space<vmem>> -> memref<128x128xf32, #tpu.memory_space<vmem>>
    %dma_wait3A_201 = arith.constant 0 : i32
    %dma_wait3A_202 = tpu.memref_slice %arg7[%dma_wait3A_195, %dma_wait3A_201] : memref<4x128xi32, #tpu.memory_space<vmem>> -> memref<1x128xi32, #tpu.memory_space<vmem>>
    %dma_wait3A_203 = tpu.memref_squeeze %dma_wait3A_202 : memref<1x128xi32, #tpu.memory_space<vmem>> -> memref<128xi32, #tpu.memory_space<vmem>>
    %dma_wait3A_204 = arith.constant 0 : i32
    %dma_wait3A_205 = arith.constant 0 : i32
    %dma_wait3A_206 = tpu.memref_slice %arg2[%dma_wait3A_204, %dma_wait3A_205] : memref<100000x128xf32, #tpu.memory_space<hbm>> -> memref<100000x128xf32, #tpu.memory_space<hbm>>
    tpu.wait_indirect_dma semaphore(%arg18 : memref<!tpu.dma_semaphore, #tpu.memory_space<semaphore_mem>>) src(%dma_wait3A_206 : memref<100000x128xf32, #tpu.memory_space<hbm>>) dst(%dma_wait3A_200 : memref<128x128xf32, #tpu.memory_space<vmem>>)
    %dma_wait3A_207 = arith.constant 0 : i32
    %dma_wait3A_208 = arith.constant 0 : i32
    %dma_wait3A_209 = arith.constant 0 : i32
    %dma_wait3A_210 = arith.constant 0 : i32
    %dma_wait3A_211 = tpu.memref_slice %arg9[%dma_wait3A_208, %dma_wait3A_209, %dma_wait3A_210] : memref<2x128x128xf32, #tpu.memory_space<vmem>> -> memref<1x128x128xf32, #tpu.memory_space<vmem>>
    %dma_wait3A_212 = tpu.memref_squeeze %dma_wait3A_211 : memref<1x128x128xf32, #tpu.memory_space<vmem>> -> memref<128x128xf32, #tpu.memory_space<vmem>>
    %dma_wait3A_213 = arith.constant 0 : i32
    %dma_wait3A_214 = tpu.memref_slice %arg7[%dma_wait3A_207, %dma_wait3A_213] : memref<4x128xi32, #tpu.memory_space<vmem>> -> memref<1x128xi32, #tpu.memory_space<vmem>>
    %dma_wait3A_215 = tpu.memref_squeeze %dma_wait3A_214 : memref<1x128xi32, #tpu.memory_space<vmem>> -> memref<128xi32, #tpu.memory_space<vmem>>
    %dma_wait3A_216 = arith.constant 0 : i32
    %dma_wait3A_217 = arith.constant 0 : i32
    %dma_wait3A_218 = tpu.memref_slice %arg2[%dma_wait3A_216, %dma_wait3A_217] : memref<100000x128xf32, #tpu.memory_space<hbm>> -> memref<100000x128xf32, #tpu.memory_space<hbm>>
    tpu.wait_indirect_dma semaphore(%arg18 : memref<!tpu.dma_semaphore, #tpu.memory_space<semaphore_mem>>) src(%dma_wait3A_218 : memref<100000x128xf32, #tpu.memory_space<hbm>>) dst(%dma_wait3A_212 : memref<128x128xf32, #tpu.memory_space<vmem>>)
    %add3A_219 = arith.constant 0 : i32
    %add3A_220 = arith.addi %multiple_of3A_11, %add3A_219 : i32
    %dma_start3A_221 = arith.constant 0 : i32
    %dma_start3A_222 = arith.constant 0 : i32
    %dma_start3A_223 = arith.constant 0 : i32
    %dma_start3A_224 = tpu.memref_slice %arg9[%dma_start3A_221, %dma_start3A_222, %dma_start3A_223] : memref<2x128x128xf32, #tpu.memory_space<vmem>> -> memref<1x128x128xf32, #tpu.memory_space<vmem>>
    %dma_start3A_225 = tpu.memref_squeeze %dma_start3A_224 : memref<1x128x128xf32, #tpu.memory_space<vmem>> -> memref<128x128xf32, #tpu.memory_space<vmem>>
    %dma_start3A_226 = arith.constant 128 : i32
    %dma_start3A_227 = tpu.memref_slice %arg6[%add3A_220, %dma_start3A_226] : memref<8192x384xf32, #tpu.memory_space<hbm>> -> memref<128x128xf32, #tpu.memory_space<hbm>>
    %dma_start3A_228 = arith.constant 128 : i32
    %dma_start3A_229 = tpu.memref_slice %arg6[%add3A_220, %dma_start3A_228] : memref<8192x384xf32, #tpu.memory_space<hbm>> -> memref<128x128xf32, #tpu.memory_space<hbm>>
    %dma_start3A_230 = arith.constant 0 : i32
    %dma_start3A_231 = arith.constant 0 : i32
    %dma_start3A_232 = tpu.memref_slice %arg9[%dma_start3A_221, %dma_start3A_230, %dma_start3A_231] : memref<2x128x128xf32, #tpu.memory_space<vmem>> -> memref<1x128x128xf32, #tpu.memory_space<vmem>>
    %dma_start3A_233 = tpu.memref_squeeze %dma_start3A_232 : memref<1x128x128xf32, #tpu.memory_space<vmem>> -> memref<128x128xf32, #tpu.memory_space<vmem>>
    tpu.enqueue_dma source(%dma_start3A_233 : memref<128x128xf32, #tpu.memory_space<vmem>>) target(%dma_start3A_229 : memref<128x128xf32, #tpu.memory_space<hbm>>) target_semaphore(%arg18 : memref<!tpu.dma_semaphore, #tpu.memory_space<semaphore_mem>>)
    %add3A_234 = arith.constant 128 : i32
    %add3A_235 = arith.addi %multiple_of3A_11, %add3A_234 : i32
    %dma_start3A_236 = arith.constant 1 : i32
    %dma_start3A_237 = arith.constant 0 : i32
    %dma_start3A_238 = arith.constant 0 : i32
    %dma_start3A_239 = tpu.memref_slice %arg9[%dma_start3A_236, %dma_start3A_237, %dma_start3A_238] : memref<2x128x128xf32, #tpu.memory_space<vmem>> -> memref<1x128x128xf32, #tpu.memory_space<vmem>>
    %dma_start3A_240 = tpu.memref_squeeze %dma_start3A_239 : memref<1x128x128xf32, #tpu.memory_space<vmem>> -> memref<128x128xf32, #tpu.memory_space<vmem>>
    %dma_start3A_241 = arith.constant 128 : i32
    %dma_start3A_242 = tpu.memref_slice %arg6[%add3A_235, %dma_start3A_241] : memref<8192x384xf32, #tpu.memory_space<hbm>> -> memref<128x128xf32, #tpu.memory_space<hbm>>
    %dma_start3A_243 = arith.constant 128 : i32
    %dma_start3A_244 = tpu.memref_slice %arg6[%add3A_235, %dma_start3A_243] : memref<8192x384xf32, #tpu.memory_space<hbm>> -> memref<128x128xf32, #tpu.memory_space<hbm>>
    %dma_start3A_245 = arith.constant 0 : i32
    %dma_start3A_246 = arith.constant 0 : i32
    %dma_start3A_247 = tpu.memref_slice %arg9[%dma_start3A_236, %dma_start3A_245, %dma_start3A_246] : memref<2x128x128xf32, #tpu.memory_space<vmem>> -> memref<1x128x128xf32, #tpu.memory_space<vmem>>
    %dma_start3A_248 = tpu.memref_squeeze %dma_start3A_247 : memref<1x128x128xf32, #tpu.memory_space<vmem>> -> memref<128x128xf32, #tpu.memory_space<vmem>>
    tpu.enqueue_dma source(%dma_start3A_248 : memref<128x128xf32, #tpu.memory_space<vmem>>) target(%dma_start3A_244 : memref<128x128xf32, #tpu.memory_space<hbm>>) target_semaphore(%arg18 : memref<!tpu.dma_semaphore, #tpu.memory_space<semaphore_mem>>)
    %add3A_249 = arith.constant 128 : i32
    %add3A_250 = arith.addi %reduce_sum3A_194, %add3A_249 : i32
    %sub3A = arith.constant 1 : i32
    %sub3A_251 = arith.subi %add3A_250, %sub3A : i32
    %jit3A_252 = arith.constant 128 : i32
    %div3A = arith.divsi %sub3A_251, %jit3A_252 : i32
    %sign3A = arith.constant 0 : i32
    %sign3A_253 = arith.cmpi sgt, %sub3A_251, %sign3A : i32
    %sign3A_254 = arith.extui %sign3A_253 : i1 to i32
    %sign3A_255 = arith.constant 0 : i32
    %sign3A_256 = arith.cmpi slt, %sub3A_251, %sign3A_255 : i32
    %sign3A_257 = arith.extui %sign3A_256 : i1 to i32
    %sign3A_258 = arith.subi %sign3A_254, %sign3A_257 : i32
    %sign3A_259 = arith.constant 0 : i32
    %sign3A_260 = arith.cmpi sgt, %jit3A_252, %sign3A_259 : i32
    %sign3A_261 = arith.extui %sign3A_260 : i1 to i32
    %sign3A_262 = arith.constant 0 : i32
    %sign3A_263 = arith.cmpi slt, %jit3A_252, %sign3A_262 : i32
    %sign3A_264 = arith.extui %sign3A_263 : i1 to i32
    %sign3A_265 = arith.subi %sign3A_261, %sign3A_264 : i32
    %ne3A = arith.cmpi ne, %sign3A_258, %sign3A_265 : i32
    %rem3A = arith.remsi %sub3A_251, %jit3A_252 : i32
    %ne3A_266 = arith.constant 0 : i32
    %ne3A_267 = arith.cmpi ne, %rem3A, %ne3A_266 : i32
    %and3A = arith.andi %ne3A, %ne3A_267 : i1
    %sub3A_268 = arith.constant 1 : i32
    %sub3A_269 = arith.subi %div3A, %sub3A_268 : i32
    %select_n3A_270 = arith.select %and3A, %sub3A_269, %div3A : i32
    %min3A = arith.constant 781 : i32
    %min3A_271 = arith.minsi %select_n3A_270, %min3A : i32
    %jit3A_272 = arith.constant 128 : i32
    %div3A_273 = arith.divsi %reduce_sum3A_194, %jit3A_272 : i32
    %sign3A_274 = arith.constant 0 : i32
    %sign3A_275 = arith.cmpi sgt, %reduce_sum3A_194, %sign3A_274 : i32
    %sign3A_276 = arith.extui %sign3A_275 : i1 to i32
    %sign3A_277 = arith.constant 0 : i32
    %sign3A_278 = arith.cmpi slt, %reduce_sum3A_194, %sign3A_277 : i32
    %sign3A_279 = arith.extui %sign3A_278 : i1 to i32
    %sign3A_280 = arith.subi %sign3A_276, %sign3A_279 : i32
    %sign3A_281 = arith.constant 0 : i32
    %sign3A_282 = arith.cmpi sgt, %jit3A_272, %sign3A_281 : i32
    %sign3A_283 = arith.extui %sign3A_282 : i1 to i32
    %sign3A_284 = arith.constant 0 : i32
    %sign3A_285 = arith.cmpi slt, %jit3A_272, %sign3A_284 : i32
    %sign3A_286 = arith.extui %sign3A_285 : i1 to i32
    %sign3A_287 = arith.subi %sign3A_283, %sign3A_286 : i32
    %ne3A_288 = arith.cmpi ne, %sign3A_280, %sign3A_287 : i32
    %rem3A_289 = arith.remsi %reduce_sum3A_194, %jit3A_272 : i32
    %ne3A_290 = arith.constant 0 : i32
    %ne3A_291 = arith.cmpi ne, %rem3A_289, %ne3A_290 : i32
    %and3A_292 = arith.andi %ne3A_288, %ne3A_291 : i1
    %sub3A_293 = arith.constant 1 : i32
    %sub3A_294 = arith.subi %div3A_273, %sub3A_293 : i32
    %select_n3A_295 = arith.select %and3A_292, %sub3A_294, %div3A_273 : i32
    %min3A_296 = arith.constant 781 : i32
    %min3A_297 = arith.minsi %select_n3A_295, %min3A_296 : i32
    %eq3A_298 = arith.constant 0 : i32
    %eq3A_299 = arith.cmpi eq, %arg0, %eq3A_298 : i32
    %add3A_300 = arith.addi %min3A_297, %arg1 : i32
    %select_n3A_301 = arith.select %eq3A_299, %arg1, %add3A_300 : i32
    %eq3A_302 = arith.constant 0 : i32
    %eq3A_303 = arith.cmpi eq, %arg0, %eq3A_302 : i32
    %jit3A_304 = arith.constant 781 : i32
    %select_n3A_305 = arith.select %eq3A_303, %min3A_271, %jit3A_304 : i32
    %sub3A_306 = arith.subi %select_n3A_305, %select_n3A_301 : i32
    %add3A_307 = arith.constant 16 : i32
    %add3A_308 = arith.addi %sub3A_306, %add3A_307 : i32
    %sub3A_309 = arith.constant 1 : i32
    %sub3A_310 = arith.subi %add3A_308, %sub3A_309 : i32
    %max3A = arith.constant 0 : i32
    %max3A_311 = arith.maxsi %sub3A_310, %max3A : i32
    %jit3A_312 = arith.constant 16 : i32
    %div3A_313 = arith.divsi %max3A_311, %jit3A_312 : i32
    %sign3A_314 = arith.constant 0 : i32
    %sign3A_315 = arith.cmpi sgt, %max3A_311, %sign3A_314 : i32
    %sign3A_316 = arith.extui %sign3A_315 : i1 to i32
    %sign3A_317 = arith.constant 0 : i32
    %sign3A_318 = arith.cmpi slt, %max3A_311, %sign3A_317 : i32
    %sign3A_319 = arith.extui %sign3A_318 : i1 to i32
    %sign3A_320 = arith.subi %sign3A_316, %sign3A_319 : i32
    %sign3A_321 = arith.constant 0 : i32
    %sign3A_322 = arith.cmpi sgt, %jit3A_312, %sign3A_321 : i32
    %sign3A_323 = arith.extui %sign3A_322 : i1 to i32
    %sign3A_324 = arith.constant 0 : i32
    %sign3A_325 = arith.cmpi slt, %jit3A_312, %sign3A_324 : i32
    %sign3A_326 = arith.extui %sign3A_325 : i1 to i32
    %sign3A_327 = arith.subi %sign3A_323, %sign3A_326 : i32
    %ne3A_328 = arith.cmpi ne, %sign3A_320, %sign3A_327 : i32
    %rem3A_329 = arith.remsi %max3A_311, %jit3A_312 : i32
    %ne3A_330 = arith.constant 0 : i32
    %ne3A_331 = arith.cmpi ne, %rem3A_329, %ne3A_330 : i32
    %and3A_332 = arith.andi %ne3A_328, %ne3A_331 : i1
    %sub3A_333 = arith.constant 1 : i32
    %sub3A_334 = arith.subi %div3A_313, %sub3A_333 : i32
    %select_n3A_335 = arith.select %and3A_332, %sub3A_334, %div3A_313 : i32
    %dma_wait3A_336 = arith.constant 0 : i32
    %dma_wait3A_337 = arith.constant 0 : i32
    %dma_wait3A_338 = arith.constant 0 : i32
    %dma_wait3A_339 = tpu.memref_slice %arg9[%dma_wait3A_336, %dma_wait3A_337, %dma_wait3A_338] : memref<2x128x128xf32, #tpu.memory_space<vmem>> -> memref<1x128x128xf32, #tpu.memory_space<vmem>>
    %dma_wait3A_340 = tpu.memref_squeeze %dma_wait3A_339 : memref<1x128x128xf32, #tpu.memory_space<vmem>> -> memref<128x128xf32, #tpu.memory_space<vmem>>
    %dma_wait3A_341 = arith.constant 128 : i32
    %dma_wait3A_342 = tpu.memref_slice %arg6[%multiple_of3A_11, %dma_wait3A_341] : memref<8192x384xf32, #tpu.memory_space<hbm>> -> memref<128x128xf32, #tpu.memory_space<hbm>>
    %dma_wait3A_343 = arith.constant 128 : i32
    %dma_wait3A_344 = tpu.memref_slice %arg6[%multiple_of3A_11, %dma_wait3A_343] : memref<8192x384xf32, #tpu.memory_space<hbm>> -> memref<128x128xf32, #tpu.memory_space<hbm>>
    %dma_wait3A_345 = arith.constant 0 : i32
    %dma_wait3A_346 = arith.constant 0 : i32
    %dma_wait3A_347 = tpu.memref_slice %arg9[%dma_wait3A_336, %dma_wait3A_345, %dma_wait3A_346] : memref<2x128x128xf32, #tpu.memory_space<vmem>> -> memref<1x128x128xf32, #tpu.memory_space<vmem>>
    %dma_wait3A_348 = tpu.memref_squeeze %dma_wait3A_347 : memref<1x128x128xf32, #tpu.memory_space<vmem>> -> memref<128x128xf32, #tpu.memory_space<vmem>>
    tpu.wait_dma2 semaphore(%arg18 : memref<!tpu.dma_semaphore, #tpu.memory_space<semaphore_mem>>) src(%dma_wait3A_348 : memref<128x128xf32, #tpu.memory_space<vmem>>) dst(%dma_wait3A_344 : memref<128x128xf32, #tpu.memory_space<hbm>>)
    %dma_wait3A_349 = arith.constant 1 : i32
    %dma_wait3A_350 = arith.constant 0 : i32
    %dma_wait3A_351 = arith.constant 0 : i32
    %dma_wait3A_352 = tpu.memref_slice %arg9[%dma_wait3A_349, %dma_wait3A_350, %dma_wait3A_351] : memref<2x128x128xf32, #tpu.memory_space<vmem>> -> memref<1x128x128xf32, #tpu.memory_space<vmem>>
    %dma_wait3A_353 = tpu.memref_squeeze %dma_wait3A_352 : memref<1x128x128xf32, #tpu.memory_space<vmem>> -> memref<128x128xf32, #tpu.memory_space<vmem>>
    %dma_wait3A_354 = arith.constant 128 : i32
    %dma_wait3A_355 = tpu.memref_slice %arg6[%multiple_of3A_11, %dma_wait3A_354] : memref<8192x384xf32, #tpu.memory_space<hbm>> -> memref<128x128xf32, #tpu.memory_space<hbm>>
    %dma_wait3A_356 = arith.constant 128 : i32
    %dma_wait3A_357 = tpu.memref_slice %arg6[%multiple_of3A_11, %dma_wait3A_356] : memref<8192x384xf32, #tpu.memory_space<hbm>> -> memref<128x128xf32, #tpu.memory_space<hbm>>
    %dma_wait3A_358 = arith.constant 0 : i32
    %dma_wait3A_359 = arith.constant 0 : i32
    %dma_wait3A_360 = tpu.memref_slice %arg9[%dma_wait3A_349, %dma_wait3A_358, %dma_wait3A_359] : memref<2x128x128xf32, #tpu.memory_space<vmem>> -> memref<1x128x128xf32, #tpu.memory_space<vmem>>
    %dma_wait3A_361 = tpu.memref_squeeze %dma_wait3A_360 : memref<1x128x128xf32, #tpu.memory_space<vmem>> -> memref<128x128xf32, #tpu.memory_space<vmem>>
    tpu.wait_dma2 semaphore(%arg18 : memref<!tpu.dma_semaphore, #tpu.memory_space<semaphore_mem>>) src(%dma_wait3A_361 : memref<128x128xf32, #tpu.memory_space<vmem>>) dst(%dma_wait3A_357 : memref<128x128xf32, #tpu.memory_space<hbm>>)
    %gt3A = arith.constant 0 : i32
    %gt3A_362 = arith.cmpi sgt, %select_n3A_335, %gt3A : i32
    %convert_element_type3A_363 = arith.extui %gt3A_362 : i1 to i32
    %cond3A_364 = arith.constant 0 : i32
    %cond3A_365 = arith.cmpi ne, %convert_element_type3A_363, %cond3A_364 : i32
    scf.if %cond3A_365 {
      %add3A_539 = arith.constant 0 : i32
      %add3A_540 = arith.addi %select_n3A_301, %add3A_539 : i32
      %mul3A_541 = arith.constant 128 : i32
      %mul3A_542 = arith.muli %add3A_540, %mul3A_541 : i32
      %multiple_of3A_543 = tpu.assume_multiple %mul3A_542, 128 : i32
      %dma_start3A_544 = arith.constant 0 : i32
      %dma_start3A_545 = arith.constant 0 : i32
      %dma_start3A_546 = arith.constant 0 : i32
      %dma_start3A_547 = tpu.memref_slice %arg8[%dma_start3A_544, %dma_start3A_545, %dma_start3A_546] : memref<2x1x128xi32, #tpu.memory_space<vmem>> -> memref<1x1x128xi32, #tpu.memory_space<vmem>>
      %dma_start3A_548 = tpu.memref_squeeze %dma_start3A_547 : memref<1x1x128xi32, #tpu.memory_space<vmem>> -> memref<128xi32, #tpu.memory_space<vmem>>
      %dma_start3A_549 = tpu.memref_slice %arg3[%multiple_of3A_543] : memref<100000xi32, #tpu.memory_space<hbm>> -> memref<128xi32, #tpu.memory_space<hbm>>
      %dma_start3A_550 = arith.constant 0 : i32
      %dma_start3A_551 = tpu.memref_slice %arg8[%dma_start3A_544, %dma_start3A_545, %dma_start3A_550] : memref<2x1x128xi32, #tpu.memory_space<vmem>> -> memref<1x1x128xi32, #tpu.memory_space<vmem>>
      %dma_start3A_552 = tpu.memref_squeeze %dma_start3A_551 : memref<1x1x128xi32, #tpu.memory_space<vmem>> -> memref<128xi32, #tpu.memory_space<vmem>>
      %dma_start3A_553 = tpu.memref_slice %arg3[%multiple_of3A_543] : memref<100000xi32, #tpu.memory_space<hbm>> -> memref<128xi32, #tpu.memory_space<hbm>>
      tpu.enqueue_dma source(%dma_start3A_553 : memref<128xi32, #tpu.memory_space<hbm>>) target(%dma_start3A_552 : memref<128xi32, #tpu.memory_space<vmem>>) target_semaphore(%arg19 : memref<!tpu.dma_semaphore, #tpu.memory_space<semaphore_mem>>)
      %dma_start3A_554 = arith.constant 0 : i32
      %dma_start3A_555 = arith.constant 0 : i32
      %dma_start3A_556 = arith.constant 0 : i32
      %dma_start3A_557 = tpu.memref_slice %arg9[%dma_start3A_554, %dma_start3A_555, %dma_start3A_556] : memref<2x128x128xf32, #tpu.memory_space<vmem>> -> memref<1x128x128xf32, #tpu.memory_space<vmem>>
      %dma_start3A_558 = tpu.memref_squeeze %dma_start3A_557 : memref<1x128x128xf32, #tpu.memory_space<vmem>> -> memref<128x128xf32, #tpu.memory_space<vmem>>
      %dma_start3A_559 = arith.constant 0 : i32
      %dma_start3A_560 = tpu.memref_slice %arg2[%multiple_of3A_543, %dma_start3A_559] : memref<100000x128xf32, #tpu.memory_space<hbm>> -> memref<128x128xf32, #tpu.memory_space<hbm>>
      %dma_start3A_561 = arith.constant 0 : i32
      %dma_start3A_562 = arith.constant 0 : i32
      %dma_start3A_563 = tpu.memref_slice %arg9[%dma_start3A_554, %dma_start3A_561, %dma_start3A_562] : memref<2x128x128xf32, #tpu.memory_space<vmem>> -> memref<1x128x128xf32, #tpu.memory_space<vmem>>
      %dma_start3A_564 = tpu.memref_squeeze %dma_start3A_563 : memref<1x128x128xf32, #tpu.memory_space<vmem>> -> memref<128x128xf32, #tpu.memory_space<vmem>>
      %dma_start3A_565 = arith.constant 0 : i32
      %dma_start3A_566 = tpu.memref_slice %arg2[%multiple_of3A_543, %dma_start3A_565] : memref<100000x128xf32, #tpu.memory_space<hbm>> -> memref<128x128xf32, #tpu.memory_space<hbm>>
      tpu.enqueue_dma source(%dma_start3A_566 : memref<128x128xf32, #tpu.memory_space<hbm>>) target(%dma_start3A_564 : memref<128x128xf32, #tpu.memory_space<vmem>>) target_semaphore(%arg20 : memref<!tpu.dma_semaphore, #tpu.memory_space<semaphore_mem>>)
    } else {
    }
    %while3A_366 = arith.constant 0 : i32
    %while3A_367 = arith.constant 0 : i32
    %while3A_368 = arith.subi %select_n3A_335, %while3A_366 : i32
    %while3A_369 = arith.addi %while3A_366, %while3A_368 : i32
    %while3A_370 = arith.constant 1 : i32
    %while3A_371 = arith.divsi %while3A_368, %while3A_370 : i32
    %while3A_372 = arith.muli %while3A_371, %while3A_370 : i32
    %while3A_373 = arith.addi %while3A_366, %while3A_372 : i32
    %while3A_374 = arith.constant 1 : i32
    %while3A_375 = scf.for %while3A_539 = %while3A_366 to %while3A_373 step %while3A_374 iter_args(%while3A_540 = %while3A_367) -> (i32)  : i32 {
      %add3A_541 = arith.constant 1 : i32
      %add3A_542 = arith.addi %while3A_539, %add3A_541 : i32
      %lt3A_543 = arith.cmpi slt, %add3A_542, %select_n3A_335 : i32
      %convert_element_type3A_544 = arith.extui %lt3A_543 : i1 to i32
      %cond3A_545 = arith.constant 0 : i32
      %cond3A_546 = arith.cmpi ne, %convert_element_type3A_544, %cond3A_545 : i32
      scf.if %cond3A_546 {
        %add3A_578 = arith.constant 1 : i32
        %add3A_579 = arith.addi %while3A_539, %add3A_578 : i32
        %add3A_580 = arith.constant 1 : i32
        %add3A_581 = arith.addi %while3A_539, %add3A_580 : i32
        %rem3A_582 = arith.constant 2 : i32
        %rem3A_583 = arith.remsi %add3A_581, %rem3A_582 : i32
        %mul3A_584 = arith.constant 16 : i32
        %mul3A_585 = arith.muli %add3A_579, %mul3A_584 : i32
        %add3A_586 = arith.addi %select_n3A_301, %mul3A_585 : i32
        %mul3A_587 = arith.constant 128 : i32
        %mul3A_588 = arith.muli %add3A_586, %mul3A_587 : i32
        %multiple_of3A_589 = tpu.assume_multiple %mul3A_588, 128 : i32
        %dma_start3A_590 = arith.constant 0 : i32
        %dma_start3A_591 = arith.constant 0 : i32
        %dma_start3A_592 = tpu.memref_slice %arg8[%rem3A_583, %dma_start3A_590, %dma_start3A_591] : memref<2x1x128xi32, #tpu.memory_space<vmem>> -> memref<1x1x128xi32, #tpu.memory_space<vmem>>
        %dma_start3A_593 = tpu.memref_squeeze %dma_start3A_592 : memref<1x1x128xi32, #tpu.memory_space<vmem>> -> memref<128xi32, #tpu.memory_space<vmem>>
        %dma_start3A_594 = tpu.memref_slice %arg3[%multiple_of3A_589] : memref<100000xi32, #tpu.memory_space<hbm>> -> memref<128xi32, #tpu.memory_space<hbm>>
        %dma_start3A_595 = arith.constant 0 : i32
        %dma_start3A_596 = tpu.memref_slice %arg8[%rem3A_583, %dma_start3A_590, %dma_start3A_595] : memref<2x1x128xi32, #tpu.memory_space<vmem>> -> memref<1x1x128xi32, #tpu.memory_space<vmem>>
        %dma_start3A_597 = tpu.memref_squeeze %dma_start3A_596 : memref<1x1x128xi32, #tpu.memory_space<vmem>> -> memref<128xi32, #tpu.memory_space<vmem>>
        %dma_start3A_598 = tpu.memref_slice %arg3[%multiple_of3A_589] : memref<100000xi32, #tpu.memory_space<hbm>> -> memref<128xi32, #tpu.memory_space<hbm>>
        tpu.enqueue_dma source(%dma_start3A_598 : memref<128xi32, #tpu.memory_space<hbm>>) target(%dma_start3A_597 : memref<128xi32, #tpu.memory_space<vmem>>) target_semaphore(%arg19 : memref<!tpu.dma_semaphore, #tpu.memory_space<semaphore_mem>>)
        %dma_start3A_599 = arith.constant 0 : i32
        %dma_start3A_600 = arith.constant 0 : i32
        %dma_start3A_601 = tpu.memref_slice %arg9[%rem3A_583, %dma_start3A_599, %dma_start3A_600] : memref<2x128x128xf32, #tpu.memory_space<vmem>> -> memref<1x128x128xf32, #tpu.memory_space<vmem>>
        %dma_start3A_602 = tpu.memref_squeeze %dma_start3A_601 : memref<1x128x128xf32, #tpu.memory_space<vmem>> -> memref<128x128xf32, #tpu.memory_space<vmem>>
        %dma_start3A_603 = arith.constant 0 : i32
        %dma_start3A_604 = tpu.memref_slice %arg2[%multiple_of3A_589, %dma_start3A_603] : memref<100000x128xf32, #tpu.memory_space<hbm>> -> memref<128x128xf32, #tpu.memory_space<hbm>>
        %dma_start3A_605 = arith.constant 0 : i32
        %dma_start3A_606 = arith.constant 0 : i32
        %dma_start3A_607 = tpu.memref_slice %arg9[%rem3A_583, %dma_start3A_605, %dma_start3A_606] : memref<2x128x128xf32, #tpu.memory_space<vmem>> -> memref<1x128x128xf32, #tpu.memory_space<vmem>>
        %dma_start3A_608 = tpu.memref_squeeze %dma_start3A_607 : memref<1x128x128xf32, #tpu.memory_space<vmem>> -> memref<128x128xf32, #tpu.memory_space<vmem>>
        %dma_start3A_609 = arith.constant 0 : i32
        %dma_start3A_610 = tpu.memref_slice %arg2[%multiple_of3A_589, %dma_start3A_609] : memref<100000x128xf32, #tpu.memory_space<hbm>> -> memref<128x128xf32, #tpu.memory_space<hbm>>
        tpu.enqueue_dma source(%dma_start3A_610 : memref<128x128xf32, #tpu.memory_space<hbm>>) target(%dma_start3A_608 : memref<128x128xf32, #tpu.memory_space<vmem>>) target_semaphore(%arg20 : memref<!tpu.dma_semaphore, #tpu.memory_space<semaphore_mem>>)
      } else {
      }
      %dma_wait3A_547 = arith.constant 0 : i32
      %dma_wait3A_548 = arith.constant 0 : i32
      %dma_wait3A_549 = arith.constant 0 : i32
      %dma_wait3A_550 = tpu.memref_slice %arg8[%dma_wait3A_547, %dma_wait3A_548, %dma_wait3A_549] : memref<2x1x128xi32, #tpu.memory_space<vmem>> -> memref<1x1x128xi32, #tpu.memory_space<vmem>>
      %dma_wait3A_551 = tpu.memref_squeeze %dma_wait3A_550 : memref<1x1x128xi32, #tpu.memory_space<vmem>> -> memref<128xi32, #tpu.memory_space<vmem>>
      %dma_wait3A_552 = arith.constant 0 : i32
      %dma_wait3A_553 = tpu.memref_slice %arg3[%dma_wait3A_552] : memref<100000xi32, #tpu.memory_space<hbm>> -> memref<128xi32, #tpu.memory_space<hbm>>
      %dma_wait3A_554 = arith.constant 0 : i32
      %dma_wait3A_555 = tpu.memref_slice %arg8[%dma_wait3A_547, %dma_wait3A_548, %dma_wait3A_554] : memref<2x1x128xi32, #tpu.memory_space<vmem>> -> memref<1x1x128xi32, #tpu.memory_space<vmem>>
      %dma_wait3A_556 = tpu.memref_squeeze %dma_wait3A_555 : memref<1x1x128xi32, #tpu.memory_space<vmem>> -> memref<128xi32, #tpu.memory_space<vmem>>
      %dma_wait3A_557 = arith.constant 0 : i32
      %dma_wait3A_558 = tpu.memref_slice %arg3[%dma_wait3A_557] : memref<100000xi32, #tpu.memory_space<hbm>> -> memref<128xi32, #tpu.memory_space<hbm>>
      tpu.wait_dma2 semaphore(%arg19 : memref<!tpu.dma_semaphore, #tpu.memory_space<semaphore_mem>>) src(%dma_wait3A_558 : memref<128xi32, #tpu.memory_space<hbm>>) dst(%dma_wait3A_556 : memref<128xi32, #tpu.memory_space<vmem>>)
      %dma_wait3A_559 = arith.constant 0 : i32
      %dma_wait3A_560 = arith.constant 0 : i32
      %dma_wait3A_561 = arith.constant 0 : i32
      %dma_wait3A_562 = tpu.memref_slice %arg9[%dma_wait3A_559, %dma_wait3A_560, %dma_wait3A_561] : memref<2x128x128xf32, #tpu.memory_space<vmem>> -> memref<1x128x128xf32, #tpu.memory_space<vmem>>
      %dma_wait3A_563 = tpu.memref_squeeze %dma_wait3A_562 : memref<1x128x128xf32, #tpu.memory_space<vmem>> -> memref<128x128xf32, #tpu.memory_space<vmem>>
      %dma_wait3A_564 = arith.constant 0 : i32
      %dma_wait3A_565 = arith.constant 0 : i32
      %dma_wait3A_566 = tpu.memref_slice %arg2[%dma_wait3A_564, %dma_wait3A_565] : memref<100000x128xf32, #tpu.memory_space<hbm>> -> memref<128x128xf32, #tpu.memory_space<hbm>>
      %dma_wait3A_567 = arith.constant 0 : i32
      %dma_wait3A_568 = arith.constant 0 : i32
      %dma_wait3A_569 = tpu.memref_slice %arg9[%dma_wait3A_559, %dma_wait3A_567, %dma_wait3A_568] : memref<2x128x128xf32, #tpu.memory_space<vmem>> -> memref<1x128x128xf32, #tpu.memory_space<vmem>>
      %dma_wait3A_570 = tpu.memref_squeeze %dma_wait3A_569 : memref<1x128x128xf32, #tpu.memory_space<vmem>> -> memref<128x128xf32, #tpu.memory_space<vmem>>
      %dma_wait3A_571 = arith.constant 0 : i32
      %dma_wait3A_572 = arith.constant 0 : i32
      %dma_wait3A_573 = tpu.memref_slice %arg2[%dma_wait3A_571, %dma_wait3A_572] : memref<100000x128xf32, #tpu.memory_space<hbm>> -> memref<128x128xf32, #tpu.memory_space<hbm>>
      tpu.wait_dma2 semaphore(%arg20 : memref<!tpu.dma_semaphore, #tpu.memory_space<semaphore_mem>>) src(%dma_wait3A_573 : memref<128x128xf32, #tpu.memory_space<hbm>>) dst(%dma_wait3A_570 : memref<128x128xf32, #tpu.memory_space<vmem>>)
      %rem3A_574 = arith.constant 2 : i32
      %rem3A_575 = arith.remsi %while3A_539, %rem3A_574 : i32
      %run_scoped3A_576 = arith.constant 0 : i32
      "tpu.region"() ({
        %run_scoped3A_578 = tpu.sem_alloc : memref<!tpu.dma_semaphore, #tpu.memory_space<semaphore_mem>>
        %dma_start3A_579 = arith.constant 0 : i32
        %dma_start3A_580 = arith.constant 0 : i32
        %dma_start3A_581 = tpu.memref_slice %arg9[%rem3A_575, %dma_start3A_579, %dma_start3A_580] : memref<2x128x128xf32, #tpu.memory_space<vmem>> -> memref<1x128x128xf32, #tpu.memory_space<vmem>>
        %dma_start3A_582 = tpu.memref_squeeze %dma_start3A_581 : memref<1x128x128xf32, #tpu.memory_space<vmem>> -> memref<128x128xf32, #tpu.memory_space<vmem>>
        %dma_start3A_583 = arith.constant 0 : i32
        %dma_start3A_584 = tpu.memref_slice %arg8[%rem3A_575, %run_scoped3A_576, %dma_start3A_583] : memref<2x1x128xi32, #tpu.memory_space<vmem>> -> memref<1x1x128xi32, #tpu.memory_space<vmem>>
        %dma_start3A_585 = tpu.memref_squeeze %dma_start3A_584 : memref<1x1x128xi32, #tpu.memory_space<vmem>> -> memref<128xi32, #tpu.memory_space<vmem>>
        %dma_start3A_586 = arith.constant 0 : i32
        %dma_start3A_587 = arith.constant 0 : i32
        %dma_start3A_588 = tpu.memref_slice %arg16[%dma_start3A_586, %dma_start3A_587] : memref<8192x128xf32, #tpu.memory_space<vmem_shared>> -> memref<8192x128xf32, #tpu.memory_space<vmem_shared>>
        tpu.enqueue_indirect_dma source(%dma_start3A_582 : memref<128x128xf32, #tpu.memory_space<vmem>>) target(%dma_start3A_588 : memref<8192x128xf32, #tpu.memory_space<vmem_shared>>) offsets(%dma_start3A_585 : memref<128xi32, #tpu.memory_space<vmem>>) semaphore(%run_scoped3A_578 : memref<!tpu.dma_semaphore, #tpu.memory_space<semaphore_mem>>) {add = true}
        %dma_wait3A_589 = arith.constant 0 : i32
        %dma_wait3A_590 = arith.constant 0 : i32
        %dma_wait3A_591 = tpu.memref_slice %arg9[%rem3A_575, %dma_wait3A_589, %dma_wait3A_590] : memref<2x128x128xf32, #tpu.memory_space<vmem>> -> memref<1x128x128xf32, #tpu.memory_space<vmem>>
        %dma_wait3A_592 = tpu.memref_squeeze %dma_wait3A_591 : memref<1x128x128xf32, #tpu.memory_space<vmem>> -> memref<128x128xf32, #tpu.memory_space<vmem>>
        %dma_wait3A_593 = arith.constant 0 : i32
        %dma_wait3A_594 = tpu.memref_slice %arg8[%rem3A_575, %run_scoped3A_576, %dma_wait3A_593] : memref<2x1x128xi32, #tpu.memory_space<vmem>> -> memref<1x1x128xi32, #tpu.memory_space<vmem>>
        %dma_wait3A_595 = tpu.memref_squeeze %dma_wait3A_594 : memref<1x1x128xi32, #tpu.memory_space<vmem>> -> memref<128xi32, #tpu.memory_space<vmem>>
        %dma_wait3A_596 = arith.constant 0 : i32
        %dma_wait3A_597 = arith.constant 0 : i32
        %dma_wait3A_598 = tpu.memref_slice %arg16[%dma_wait3A_596, %dma_wait3A_597] : memref<8192x128xf32, #tpu.memory_space<vmem_shared>> -> memref<8192x128xf32, #tpu.memory_space<vmem_shared>>
        tpu.wait_indirect_dma semaphore(%run_scoped3A_578 : memref<!tpu.dma_semaphore, #tpu.memory_space<semaphore_mem>>) src(%dma_wait3A_592 : memref<128x128xf32, #tpu.memory_space<vmem>>) dst(%dma_wait3A_598 : memref<8192x128xf32, #tpu.memory_space<vmem_shared>>)
        tpu.yield
      }) : () -> ()
      %while3A_577 = arith.constant 0 : i32
      scf.yield %while3A_577 : i32
    }
    %while3A_376 = arith.constant 1 : i32
    %while3A_377 = scf.for %while3A_539 = %while3A_373 to %while3A_369 step %while3A_376 iter_args(%while3A_540 = %while3A_375) -> (i32)  : i32 {
      %add3A_541 = arith.constant 1 : i32
      %add3A_542 = arith.addi %while3A_539, %add3A_541 : i32
      %lt3A_543 = arith.cmpi slt, %add3A_542, %select_n3A_335 : i32
      %convert_element_type3A_544 = arith.extui %lt3A_543 : i1 to i32
      %cond3A_545 = arith.constant 0 : i32
      %cond3A_546 = arith.cmpi ne, %convert_element_type3A_544, %cond3A_545 : i32
      scf.if %cond3A_546 {
        %add3A_578 = arith.constant 1 : i32
        %add3A_579 = arith.addi %while3A_539, %add3A_578 : i32
        %add3A_580 = arith.constant 1 : i32
        %add3A_581 = arith.addi %while3A_539, %add3A_580 : i32
        %rem3A_582 = arith.constant 2 : i32
        %rem3A_583 = arith.remsi %add3A_581, %rem3A_582 : i32
        %mul3A_584 = arith.constant 16 : i32
        %mul3A_585 = arith.muli %add3A_579, %mul3A_584 : i32
        %add3A_586 = arith.addi %select_n3A_301, %mul3A_585 : i32
        %mul3A_587 = arith.constant 128 : i32
        %mul3A_588 = arith.muli %add3A_586, %mul3A_587 : i32
        %multiple_of3A_589 = tpu.assume_multiple %mul3A_588, 128 : i32
        %dma_start3A_590 = arith.constant 0 : i32
        %dma_start3A_591 = arith.constant 0 : i32
        %dma_start3A_592 = tpu.memref_slice %arg8[%rem3A_583, %dma_start3A_590, %dma_start3A_591] : memref<2x1x128xi32, #tpu.memory_space<vmem>> -> memref<1x1x128xi32, #tpu.memory_space<vmem>>
        %dma_start3A_593 = tpu.memref_squeeze %dma_start3A_592 : memref<1x1x128xi32, #tpu.memory_space<vmem>> -> memref<128xi32, #tpu.memory_space<vmem>>
        %dma_start3A_594 = tpu.memref_slice %arg3[%multiple_of3A_589] : memref<100000xi32, #tpu.memory_space<hbm>> -> memref<128xi32, #tpu.memory_space<hbm>>
        %dma_start3A_595 = arith.constant 0 : i32
        %dma_start3A_596 = tpu.memref_slice %arg8[%rem3A_583, %dma_start3A_590, %dma_start3A_595] : memref<2x1x128xi32, #tpu.memory_space<vmem>> -> memref<1x1x128xi32, #tpu.memory_space<vmem>>
        %dma_start3A_597 = tpu.memref_squeeze %dma_start3A_596 : memref<1x1x128xi32, #tpu.memory_space<vmem>> -> memref<128xi32, #tpu.memory_space<vmem>>
        %dma_start3A_598 = tpu.memref_slice %arg3[%multiple_of3A_589] : memref<100000xi32, #tpu.memory_space<hbm>> -> memref<128xi32, #tpu.memory_space<hbm>>
        tpu.enqueue_dma source(%dma_start3A_598 : memref<128xi32, #tpu.memory_space<hbm>>) target(%dma_start3A_597 : memref<128xi32, #tpu.memory_space<vmem>>) target_semaphore(%arg19 : memref<!tpu.dma_semaphore, #tpu.memory_space<semaphore_mem>>)
        %dma_start3A_599 = arith.constant 0 : i32
        %dma_start3A_600 = arith.constant 0 : i32
        %dma_start3A_601 = tpu.memref_slice %arg9[%rem3A_583, %dma_start3A_599, %dma_start3A_600] : memref<2x128x128xf32, #tpu.memory_space<vmem>> -> memref<1x128x128xf32, #tpu.memory_space<vmem>>
        %dma_start3A_602 = tpu.memref_squeeze %dma_start3A_601 : memref<1x128x128xf32, #tpu.memory_space<vmem>> -> memref<128x128xf32, #tpu.memory_space<vmem>>
        %dma_start3A_603 = arith.constant 0 : i32
        %dma_start3A_604 = tpu.memref_slice %arg2[%multiple_of3A_589, %dma_start3A_603] : memref<100000x128xf32, #tpu.memory_space<hbm>> -> memref<128x128xf32, #tpu.memory_space<hbm>>
        %dma_start3A_605 = arith.constant 0 : i32
        %dma_start3A_606 = arith.constant 0 : i32
        %dma_start3A_607 = tpu.memref_slice %arg9[%rem3A_583, %dma_start3A_605, %dma_start3A_606] : memref<2x128x128xf32, #tpu.memory_space<vmem>> -> memref<1x128x128xf32, #tpu.memory_space<vmem>>
        %dma_start3A_608 = tpu.memref_squeeze %dma_start3A_607 : memref<1x128x128xf32, #tpu.memory_space<vmem>> -> memref<128x128xf32, #tpu.memory_space<vmem>>
        %dma_start3A_609 = arith.constant 0 : i32
        %dma_start3A_610 = tpu.memref_slice %arg2[%multiple_of3A_589, %dma_start3A_609] : memref<100000x128xf32, #tpu.memory_space<hbm>> -> memref<128x128xf32, #tpu.memory_space<hbm>>
        tpu.enqueue_dma source(%dma_start3A_610 : memref<128x128xf32, #tpu.memory_space<hbm>>) target(%dma_start3A_608 : memref<128x128xf32, #tpu.memory_space<vmem>>) target_semaphore(%arg20 : memref<!tpu.dma_semaphore, #tpu.memory_space<semaphore_mem>>)
      } else {
      }
      %dma_wait3A_547 = arith.constant 0 : i32
      %dma_wait3A_548 = arith.constant 0 : i32
      %dma_wait3A_549 = arith.constant 0 : i32
      %dma_wait3A_550 = tpu.memref_slice %arg8[%dma_wait3A_547, %dma_wait3A_548, %dma_wait3A_549] : memref<2x1x128xi32, #tpu.memory_space<vmem>> -> memref<1x1x128xi32, #tpu.memory_space<vmem>>
      %dma_wait3A_551 = tpu.memref_squeeze %dma_wait3A_550 : memref<1x1x128xi32, #tpu.memory_space<vmem>> -> memref<128xi32, #tpu.memory_space<vmem>>
      %dma_wait3A_552 = arith.constant 0 : i32
      %dma_wait3A_553 = tpu.memref_slice %arg3[%dma_wait3A_552] : memref<100000xi32, #tpu.memory_space<hbm>> -> memref<128xi32, #tpu.memory_space<hbm>>
      %dma_wait3A_554 = arith.constant 0 : i32
      %dma_wait3A_555 = tpu.memref_slice %arg8[%dma_wait3A_547, %dma_wait3A_548, %dma_wait3A_554] : memref<2x1x128xi32, #tpu.memory_space<vmem>> -> memref<1x1x128xi32, #tpu.memory_space<vmem>>
      %dma_wait3A_556 = tpu.memref_squeeze %dma_wait3A_555 : memref<1x1x128xi32, #tpu.memory_space<vmem>> -> memref<128xi32, #tpu.memory_space<vmem>>
      %dma_wait3A_557 = arith.constant 0 : i32
      %dma_wait3A_558 = tpu.memref_slice %arg3[%dma_wait3A_557] : memref<100000xi32, #tpu.memory_space<hbm>> -> memref<128xi32, #tpu.memory_space<hbm>>
      tpu.wait_dma2 semaphore(%arg19 : memref<!tpu.dma_semaphore, #tpu.memory_space<semaphore_mem>>) src(%dma_wait3A_558 : memref<128xi32, #tpu.memory_space<hbm>>) dst(%dma_wait3A_556 : memref<128xi32, #tpu.memory_space<vmem>>)
      %dma_wait3A_559 = arith.constant 0 : i32
      %dma_wait3A_560 = arith.constant 0 : i32
      %dma_wait3A_561 = arith.constant 0 : i32
      %dma_wait3A_562 = tpu.memref_slice %arg9[%dma_wait3A_559, %dma_wait3A_560, %dma_wait3A_561] : memref<2x128x128xf32, #tpu.memory_space<vmem>> -> memref<1x128x128xf32, #tpu.memory_space<vmem>>
      %dma_wait3A_563 = tpu.memref_squeeze %dma_wait3A_562 : memref<1x128x128xf32, #tpu.memory_space<vmem>> -> memref<128x128xf32, #tpu.memory_space<vmem>>
      %dma_wait3A_564 = arith.constant 0 : i32
      %dma_wait3A_565 = arith.constant 0 : i32
      %dma_wait3A_566 = tpu.memref_slice %arg2[%dma_wait3A_564, %dma_wait3A_565] : memref<100000x128xf32, #tpu.memory_space<hbm>> -> memref<128x128xf32, #tpu.memory_space<hbm>>
      %dma_wait3A_567 = arith.constant 0 : i32
      %dma_wait3A_568 = arith.constant 0 : i32
      %dma_wait3A_569 = tpu.memref_slice %arg9[%dma_wait3A_559, %dma_wait3A_567, %dma_wait3A_568] : memref<2x128x128xf32, #tpu.memory_space<vmem>> -> memref<1x128x128xf32, #tpu.memory_space<vmem>>
      %dma_wait3A_570 = tpu.memref_squeeze %dma_wait3A_569 : memref<1x128x128xf32, #tpu.memory_space<vmem>> -> memref<128x128xf32, #tpu.memory_space<vmem>>
      %dma_wait3A_571 = arith.constant 0 : i32
      %dma_wait3A_572 = arith.constant 0 : i32
      %dma_wait3A_573 = tpu.memref_slice %arg2[%dma_wait3A_571, %dma_wait3A_572] : memref<100000x128xf32, #tpu.memory_space<hbm>> -> memref<128x128xf32, #tpu.memory_space<hbm>>
      tpu.wait_dma2 semaphore(%arg20 : memref<!tpu.dma_semaphore, #tpu.memory_space<semaphore_mem>>) src(%dma_wait3A_573 : memref<128x128xf32, #tpu.memory_space<hbm>>) dst(%dma_wait3A_570 : memref<128x128xf32, #tpu.memory_space<vmem>>)
      %rem3A_574 = arith.constant 2 : i32
      %rem3A_575 = arith.remsi %while3A_539, %rem3A_574 : i32
      %run_scoped3A_576 = arith.constant 0 : i32
      "tpu.region"() ({
        %run_scoped3A_578 = tpu.sem_alloc : memref<!tpu.dma_semaphore, #tpu.memory_space<semaphore_mem>>
        %dma_start3A_579 = arith.constant 0 : i32
        %dma_start3A_580 = arith.constant 0 : i32
        %dma_start3A_581 = tpu.memref_slice %arg9[%rem3A_575, %dma_start3A_579, %dma_start3A_580] : memref<2x128x128xf32, #tpu.memory_space<vmem>> -> memref<1x128x128xf32, #tpu.memory_space<vmem>>
        %dma_start3A_582 = tpu.memref_squeeze %dma_start3A_581 : memref<1x128x128xf32, #tpu.memory_space<vmem>> -> memref<128x128xf32, #tpu.memory_space<vmem>>
        %dma_start3A_583 = arith.constant 0 : i32
        %dma_start3A_584 = tpu.memref_slice %arg8[%rem3A_575, %run_scoped3A_576, %dma_start3A_583] : memref<2x1x128xi32, #tpu.memory_space<vmem>> -> memref<1x1x128xi32, #tpu.memory_space<vmem>>
        %dma_start3A_585 = tpu.memref_squeeze %dma_start3A_584 : memref<1x1x128xi32, #tpu.memory_space<vmem>> -> memref<128xi32, #tpu.memory_space<vmem>>
        %dma_start3A_586 = arith.constant 0 : i32
        %dma_start3A_587 = arith.constant 0 : i32
        %dma_start3A_588 = tpu.memref_slice %arg16[%dma_start3A_586, %dma_start3A_587] : memref<8192x128xf32, #tpu.memory_space<vmem_shared>> -> memref<8192x128xf32, #tpu.memory_space<vmem_shared>>
        tpu.enqueue_indirect_dma source(%dma_start3A_582 : memref<128x128xf32, #tpu.memory_space<vmem>>) target(%dma_start3A_588 : memref<8192x128xf32, #tpu.memory_space<vmem_shared>>) offsets(%dma_start3A_585 : memref<128xi32, #tpu.memory_space<vmem>>) semaphore(%run_scoped3A_578 : memref<!tpu.dma_semaphore, #tpu.memory_space<semaphore_mem>>) {add = true}
        %dma_wait3A_589 = arith.constant 0 : i32
        %dma_wait3A_590 = arith.constant 0 : i32
        %dma_wait3A_591 = tpu.memref_slice %arg9[%rem3A_575, %dma_wait3A_589, %dma_wait3A_590] : memref<2x128x128xf32, #tpu.memory_space<vmem>> -> memref<1x128x128xf32, #tpu.memory_space<vmem>>
        %dma_wait3A_592 = tpu.memref_squeeze %dma_wait3A_591 : memref<1x128x128xf32, #tpu.memory_space<vmem>> -> memref<128x128xf32, #tpu.memory_space<vmem>>
        %dma_wait3A_593 = arith.constant 0 : i32
        %dma_wait3A_594 = tpu.memref_slice %arg8[%rem3A_575, %run_scoped3A_576, %dma_wait3A_593] : memref<2x1x128xi32, #tpu.memory_space<vmem>> -> memref<1x1x128xi32, #tpu.memory_space<vmem>>
        %dma_wait3A_595 = tpu.memref_squeeze %dma_wait3A_594 : memref<1x1x128xi32, #tpu.memory_space<vmem>> -> memref<128xi32, #tpu.memory_space<vmem>>
        %dma_wait3A_596 = arith.constant 0 : i32
        %dma_wait3A_597 = arith.constant 0 : i32
        %dma_wait3A_598 = tpu.memref_slice %arg16[%dma_wait3A_596, %dma_wait3A_597] : memref<8192x128xf32, #tpu.memory_space<vmem_shared>> -> memref<8192x128xf32, #tpu.memory_space<vmem_shared>>
        tpu.wait_indirect_dma semaphore(%run_scoped3A_578 : memref<!tpu.dma_semaphore, #tpu.memory_space<semaphore_mem>>) src(%dma_wait3A_592 : memref<128x128xf32, #tpu.memory_space<vmem>>) dst(%dma_wait3A_598 : memref<8192x128xf32, #tpu.memory_space<vmem_shared>>)
        tpu.yield
      }) : () -> ()
      %while3A_577 = arith.constant 0 : i32
      scf.yield %while3A_577 : i32
    }
    %eq3A_378 = arith.constant 15 : i32
    %eq3A_379 = arith.cmpi eq, %arg1, %eq3A_378 : i32
    %convert_element_type3A_380 = arith.extui %eq3A_379 : i1 to i32
    %cond3A_381 = arith.constant 0 : i32
    %cond3A_382 = arith.cmpi ne, %convert_element_type3A_380, %cond3A_381 : i32
    scf.if %cond3A_382 {
      %run_scoped3A_539 = arith.constant 0 : i32
      "tpu.region"() ({
        %run_scoped3A_541 = tpu.sem_alloc : memref<!tpu.dma_semaphore, #tpu.memory_space<semaphore_mem>>
        %dma_start3A_542 = arith.constant 0 : i32
        %dma_start3A_543 = tpu.memref_slice %arg12[%run_scoped3A_539, %dma_start3A_542] : memref<1x32xi32, #tpu.memory_space<vmem>> -> memref<1x32xi32, #tpu.memory_space<vmem>>
        %dma_start3A_544 = tpu.memref_squeeze %dma_start3A_543 : memref<1x32xi32, #tpu.memory_space<vmem>> -> memref<32xi32, #tpu.memory_space<vmem>>
        %dma_start3A_545 = arith.constant 99968 : i32
        %dma_start3A_546 = tpu.memref_slice %arg3[%dma_start3A_545] : memref<100000xi32, #tpu.memory_space<hbm>> -> memref<32xi32, #tpu.memory_space<hbm>>
        %dma_start3A_547 = arith.constant 0 : i32
        %dma_start3A_548 = tpu.memref_slice %arg12[%run_scoped3A_539, %dma_start3A_547] : memref<1x32xi32, #tpu.memory_space<vmem>> -> memref<1x32xi32, #tpu.memory_space<vmem>>
        %dma_start3A_549 = tpu.memref_squeeze %dma_start3A_548 : memref<1x32xi32, #tpu.memory_space<vmem>> -> memref<32xi32, #tpu.memory_space<vmem>>
        %dma_start3A_550 = arith.constant 99968 : i32
        %dma_start3A_551 = tpu.memref_slice %arg3[%dma_start3A_550] : memref<100000xi32, #tpu.memory_space<hbm>> -> memref<32xi32, #tpu.memory_space<hbm>>
        tpu.enqueue_dma source(%dma_start3A_551 : memref<32xi32, #tpu.memory_space<hbm>>) target(%dma_start3A_549 : memref<32xi32, #tpu.memory_space<vmem>>) target_semaphore(%run_scoped3A_541 : memref<!tpu.dma_semaphore, #tpu.memory_space<semaphore_mem>>)
        %dma_wait3A_552 = arith.constant 0 : i32
        %dma_wait3A_553 = tpu.memref_slice %arg12[%run_scoped3A_539, %dma_wait3A_552] : memref<1x32xi32, #tpu.memory_space<vmem>> -> memref<1x32xi32, #tpu.memory_space<vmem>>
        %dma_wait3A_554 = tpu.memref_squeeze %dma_wait3A_553 : memref<1x32xi32, #tpu.memory_space<vmem>> -> memref<32xi32, #tpu.memory_space<vmem>>
        %dma_wait3A_555 = arith.constant 99968 : i32
        %dma_wait3A_556 = tpu.memref_slice %arg3[%dma_wait3A_555] : memref<100000xi32, #tpu.memory_space<hbm>> -> memref<32xi32, #tpu.memory_space<hbm>>
        %dma_wait3A_557 = arith.constant 0 : i32
        %dma_wait3A_558 = tpu.memref_slice %arg12[%run_scoped3A_539, %dma_wait3A_557] : memref<1x32xi32, #tpu.memory_space<vmem>> -> memref<1x32xi32, #tpu.memory_space<vmem>>
        %dma_wait3A_559 = tpu.memref_squeeze %dma_wait3A_558 : memref<1x32xi32, #tpu.memory_space<vmem>> -> memref<32xi32, #tpu.memory_space<vmem>>
        %dma_wait3A_560 = arith.constant 99968 : i32
        %dma_wait3A_561 = tpu.memref_slice %arg3[%dma_wait3A_560] : memref<100000xi32, #tpu.memory_space<hbm>> -> memref<32xi32, #tpu.memory_space<hbm>>
        tpu.wait_dma2 semaphore(%run_scoped3A_541 : memref<!tpu.dma_semaphore, #tpu.memory_space<semaphore_mem>>) src(%dma_wait3A_561 : memref<32xi32, #tpu.memory_space<hbm>>) dst(%dma_wait3A_559 : memref<32xi32, #tpu.memory_space<vmem>>)
        tpu.yield
      }) : () -> ()
      "tpu.region"() ({
        %run_scoped3A_541 = tpu.sem_alloc : memref<!tpu.dma_semaphore, #tpu.memory_space<semaphore_mem>>
        %dma_start3A_542 = arith.constant 99968 : i32
        %dma_start3A_543 = arith.constant 0 : i32
        %dma_start3A_544 = tpu.memref_slice %arg2[%dma_start3A_542, %dma_start3A_543] : memref<100000x128xf32, #tpu.memory_space<hbm>> -> memref<32x128xf32, #tpu.memory_space<hbm>>
        %dma_start3A_545 = arith.constant 99968 : i32
        %dma_start3A_546 = arith.constant 0 : i32
        %dma_start3A_547 = tpu.memref_slice %arg2[%dma_start3A_545, %dma_start3A_546] : memref<100000x128xf32, #tpu.memory_space<hbm>> -> memref<32x128xf32, #tpu.memory_space<hbm>>
        tpu.enqueue_dma source(%dma_start3A_547 : memref<32x128xf32, #tpu.memory_space<hbm>>) target(%arg13 : memref<32x128xf32, #tpu.memory_space<vmem>>) target_semaphore(%run_scoped3A_541 : memref<!tpu.dma_semaphore, #tpu.memory_space<semaphore_mem>>)
        %dma_wait3A_548 = arith.constant 99968 : i32
        %dma_wait3A_549 = arith.constant 0 : i32
        %dma_wait3A_550 = tpu.memref_slice %arg2[%dma_wait3A_548, %dma_wait3A_549] : memref<100000x128xf32, #tpu.memory_space<hbm>> -> memref<32x128xf32, #tpu.memory_space<hbm>>
        %dma_wait3A_551 = arith.constant 99968 : i32
        %dma_wait3A_552 = arith.constant 0 : i32
        %dma_wait3A_553 = tpu.memref_slice %arg2[%dma_wait3A_551, %dma_wait3A_552] : memref<100000x128xf32, #tpu.memory_space<hbm>> -> memref<32x128xf32, #tpu.memory_space<hbm>>
        tpu.wait_dma2 semaphore(%run_scoped3A_541 : memref<!tpu.dma_semaphore, #tpu.memory_space<semaphore_mem>>) src(%dma_wait3A_553 : memref<32x128xf32, #tpu.memory_space<hbm>>) dst(%arg13 : memref<32x128xf32, #tpu.memory_space<vmem>>)
        tpu.yield
      }) : () -> ()
      %run_scoped3A_540 = arith.constant 0 : i32
      "tpu.region"() ({
        %run_scoped3A_541 = tpu.sem_alloc : memref<!tpu.dma_semaphore, #tpu.memory_space<semaphore_mem>>
        %dma_start3A_542 = arith.constant 0 : i32
        %dma_start3A_543 = tpu.memref_slice %arg12[%run_scoped3A_540, %dma_start3A_542] : memref<1x32xi32, #tpu.memory_space<vmem>> -> memref<1x32xi32, #tpu.memory_space<vmem>>
        %dma_start3A_544 = tpu.memref_squeeze %dma_start3A_543 : memref<1x32xi32, #tpu.memory_space<vmem>> -> memref<32xi32, #tpu.memory_space<vmem>>
        %dma_start3A_545 = arith.constant 0 : i32
        %dma_start3A_546 = arith.constant 0 : i32
        %dma_start3A_547 = tpu.memref_slice %arg16[%dma_start3A_545, %dma_start3A_546] : memref<8192x128xf32, #tpu.memory_space<vmem_shared>> -> memref<8192x128xf32, #tpu.memory_space<vmem_shared>>
        tpu.enqueue_indirect_dma source(%arg13 : memref<32x128xf32, #tpu.memory_space<vmem>>) target(%dma_start3A_547 : memref<8192x128xf32, #tpu.memory_space<vmem_shared>>) offsets(%dma_start3A_544 : memref<32xi32, #tpu.memory_space<vmem>>) semaphore(%run_scoped3A_541 : memref<!tpu.dma_semaphore, #tpu.memory_space<semaphore_mem>>) {add = true}
        %dma_wait3A_548 = arith.constant 0 : i32
        %dma_wait3A_549 = tpu.memref_slice %arg12[%run_scoped3A_540, %dma_wait3A_548] : memref<1x32xi32, #tpu.memory_space<vmem>> -> memref<1x32xi32, #tpu.memory_space<vmem>>
        %dma_wait3A_550 = tpu.memref_squeeze %dma_wait3A_549 : memref<1x32xi32, #tpu.memory_space<vmem>> -> memref<32xi32, #tpu.memory_space<vmem>>
        %dma_wait3A_551 = arith.constant 0 : i32
        %dma_wait3A_552 = arith.constant 0 : i32
        %dma_wait3A_553 = tpu.memref_slice %arg16[%dma_wait3A_551, %dma_wait3A_552] : memref<8192x128xf32, #tpu.memory_space<vmem_shared>> -> memref<8192x128xf32, #tpu.memory_space<vmem_shared>>
        tpu.wait_indirect_dma semaphore(%run_scoped3A_541 : memref<!tpu.dma_semaphore, #tpu.memory_space<semaphore_mem>>) src(%arg13 : memref<32x128xf32, #tpu.memory_space<vmem>>) dst(%dma_wait3A_553 : memref<8192x128xf32, #tpu.memory_space<vmem_shared>>)
        tpu.yield
      }) : () -> ()
    } else {
    }
    %dma_start3A_383 = arith.constant 3 : i32
    %dma_start3A_384 = arith.constant 1 : i32
    %dma_start3A_385 = arith.constant 0 : i32
    %dma_start3A_386 = arith.constant 0 : i32
    %dma_start3A_387 = tpu.memref_slice %arg9[%dma_start3A_384, %dma_start3A_385, %dma_start3A_386] : memref<2x128x128xf32, #tpu.memory_space<vmem>> -> memref<1x128x128xf32, #tpu.memory_space<vmem>>
    %dma_start3A_388 = tpu.memref_squeeze %dma_start3A_387 : memref<1x128x128xf32, #tpu.memory_space<vmem>> -> memref<128x128xf32, #tpu.memory_space<vmem>>
    %dma_start3A_389 = arith.constant 0 : i32
    %dma_start3A_390 = tpu.memref_slice %arg7[%dma_start3A_383, %dma_start3A_389] : memref<4x128xi32, #tpu.memory_space<vmem>> -> memref<1x128xi32, #tpu.memory_space<vmem>>
    %dma_start3A_391 = tpu.memref_squeeze %dma_start3A_390 : memref<1x128xi32, #tpu.memory_space<vmem>> -> memref<128xi32, #tpu.memory_space<vmem>>
    %dma_start3A_392 = arith.constant 0 : i32
    %dma_start3A_393 = arith.constant 0 : i32
    %dma_start3A_394 = tpu.memref_slice %arg2[%dma_start3A_392, %dma_start3A_393] : memref<100000x128xf32, #tpu.memory_space<hbm>> -> memref<100000x128xf32, #tpu.memory_space<hbm>>
    tpu.enqueue_indirect_dma source(%dma_start3A_394 : memref<100000x128xf32, #tpu.memory_space<hbm>>) target(%dma_start3A_388 : memref<128x128xf32, #tpu.memory_space<vmem>>) offsets(%dma_start3A_391 : memref<128xi32, #tpu.memory_space<vmem>>) semaphore(%arg18 : memref<!tpu.dma_semaphore, #tpu.memory_space<semaphore_mem>>)
    %dma_wait3A_395 = arith.constant 2 : i32
    %dma_wait3A_396 = arith.constant 0 : i32
    %dma_wait3A_397 = tpu.memref_slice %arg7[%dma_wait3A_395, %dma_wait3A_396] : memref<4x128xi32, #tpu.memory_space<vmem>> -> memref<1x128xi32, #tpu.memory_space<vmem>>
    %dma_wait3A_398 = tpu.memref_squeeze %dma_wait3A_397 : memref<1x128xi32, #tpu.memory_space<vmem>> -> memref<128xi32, #tpu.memory_space<vmem>>
    %dma_wait3A_399 = arith.constant 0 : i32
    %dma_wait3A_400 = arith.constant 0 : i32
    %dma_wait3A_401 = tpu.memref_slice %arg2[%dma_wait3A_399, %dma_wait3A_400] : memref<100000x128xf32, #tpu.memory_space<hbm>> -> memref<100000x128xf32, #tpu.memory_space<hbm>>
    tpu.wait_indirect_dma semaphore(%arg22 : memref<!tpu.dma_semaphore, #tpu.memory_space<semaphore_mem>>) src(%dma_wait3A_401 : memref<100000x128xf32, #tpu.memory_space<hbm>>) dst(%arg10 : memref<128x128xf32, #tpu.memory_space<vmem>>)
    %dma_start3A_402 = arith.constant 256 : i32
    %dma_start3A_403 = tpu.memref_slice %arg6[%multiple_of3A_11, %dma_start3A_402] : memref<8192x384xf32, #tpu.memory_space<hbm>> -> memref<128x128xf32, #tpu.memory_space<hbm>>
    %dma_start3A_404 = arith.constant 256 : i32
    %dma_start3A_405 = tpu.memref_slice %arg6[%multiple_of3A_11, %dma_start3A_404] : memref<8192x384xf32, #tpu.memory_space<hbm>> -> memref<128x128xf32, #tpu.memory_space<hbm>>
    tpu.enqueue_dma source(%arg10 : memref<128x128xf32, #tpu.memory_space<vmem>>) target(%dma_start3A_405 : memref<128x128xf32, #tpu.memory_space<hbm>>) target_semaphore(%arg22 : memref<!tpu.dma_semaphore, #tpu.memory_space<semaphore_mem>>)
    %dma_wait3A_406 = arith.constant 0 : i32
    %dma_wait3A_407 = arith.constant 1 : i32
    %dma_wait3A_408 = arith.constant 0 : i32
    %dma_wait3A_409 = arith.constant 0 : i32
    %dma_wait3A_410 = tpu.memref_slice %arg9[%dma_wait3A_407, %dma_wait3A_408, %dma_wait3A_409] : memref<2x128x128xf32, #tpu.memory_space<vmem>> -> memref<1x128x128xf32, #tpu.memory_space<vmem>>
    %dma_wait3A_411 = tpu.memref_squeeze %dma_wait3A_410 : memref<1x128x128xf32, #tpu.memory_space<vmem>> -> memref<128x128xf32, #tpu.memory_space<vmem>>
    %dma_wait3A_412 = arith.constant 0 : i32
    %dma_wait3A_413 = tpu.memref_slice %arg7[%dma_wait3A_406, %dma_wait3A_412] : memref<4x128xi32, #tpu.memory_space<vmem>> -> memref<1x128xi32, #tpu.memory_space<vmem>>
    %dma_wait3A_414 = tpu.memref_squeeze %dma_wait3A_413 : memref<1x128xi32, #tpu.memory_space<vmem>> -> memref<128xi32, #tpu.memory_space<vmem>>
    %dma_wait3A_415 = arith.constant 0 : i32
    %dma_wait3A_416 = arith.constant 0 : i32
    %dma_wait3A_417 = tpu.memref_slice %arg2[%dma_wait3A_415, %dma_wait3A_416] : memref<100000x128xf32, #tpu.memory_space<hbm>> -> memref<100000x128xf32, #tpu.memory_space<hbm>>
    tpu.wait_indirect_dma semaphore(%arg18 : memref<!tpu.dma_semaphore, #tpu.memory_space<semaphore_mem>>) src(%dma_wait3A_417 : memref<100000x128xf32, #tpu.memory_space<hbm>>) dst(%dma_wait3A_411 : memref<128x128xf32, #tpu.memory_space<vmem>>)
    %add3A_418 = arith.constant 128 : i32
    %add3A_419 = arith.addi %multiple_of3A_11, %add3A_418 : i32
    %run_scoped3A = arith.constant 1 : i32
    "tpu.region"() ({
      %run_scoped3A_539 = tpu.sem_alloc : memref<!tpu.dma_semaphore, #tpu.memory_space<semaphore_mem>>
      %dma_start3A_540 = arith.constant 0 : i32
      %dma_start3A_541 = arith.constant 0 : i32
      %dma_start3A_542 = tpu.memref_slice %arg9[%run_scoped3A, %dma_start3A_540, %dma_start3A_541] : memref<2x128x128xf32, #tpu.memory_space<vmem>> -> memref<1x128x128xf32, #tpu.memory_space<vmem>>
      %dma_start3A_543 = tpu.memref_squeeze %dma_start3A_542 : memref<1x128x128xf32, #tpu.memory_space<vmem>> -> memref<128x128xf32, #tpu.memory_space<vmem>>
      %dma_start3A_544 = arith.constant 256 : i32
      %dma_start3A_545 = tpu.memref_slice %arg6[%add3A_419, %dma_start3A_544] : memref<8192x384xf32, #tpu.memory_space<hbm>> -> memref<128x128xf32, #tpu.memory_space<hbm>>
      %dma_start3A_546 = arith.constant 256 : i32
      %dma_start3A_547 = tpu.memref_slice %arg6[%add3A_419, %dma_start3A_546] : memref<8192x384xf32, #tpu.memory_space<hbm>> -> memref<128x128xf32, #tpu.memory_space<hbm>>
      %dma_start3A_548 = arith.constant 0 : i32
      %dma_start3A_549 = arith.constant 0 : i32
      %dma_start3A_550 = tpu.memref_slice %arg9[%run_scoped3A, %dma_start3A_548, %dma_start3A_549] : memref<2x128x128xf32, #tpu.memory_space<vmem>> -> memref<1x128x128xf32, #tpu.memory_space<vmem>>
      %dma_start3A_551 = tpu.memref_squeeze %dma_start3A_550 : memref<1x128x128xf32, #tpu.memory_space<vmem>> -> memref<128x128xf32, #tpu.memory_space<vmem>>
      tpu.enqueue_dma source(%dma_start3A_551 : memref<128x128xf32, #tpu.memory_space<vmem>>) target(%dma_start3A_547 : memref<128x128xf32, #tpu.memory_space<hbm>>) target_semaphore(%run_scoped3A_539 : memref<!tpu.dma_semaphore, #tpu.memory_space<semaphore_mem>>)
      %dma_wait3A_552 = arith.constant 0 : i32
      %dma_wait3A_553 = arith.constant 0 : i32
      %dma_wait3A_554 = tpu.memref_slice %arg9[%run_scoped3A, %dma_wait3A_552, %dma_wait3A_553] : memref<2x128x128xf32, #tpu.memory_space<vmem>> -> memref<1x128x128xf32, #tpu.memory_space<vmem>>
      %dma_wait3A_555 = tpu.memref_squeeze %dma_wait3A_554 : memref<1x128x128xf32, #tpu.memory_space<vmem>> -> memref<128x128xf32, #tpu.memory_space<vmem>>
      %dma_wait3A_556 = arith.constant 256 : i32
      %dma_wait3A_557 = tpu.memref_slice %arg6[%add3A_419, %dma_wait3A_556] : memref<8192x384xf32, #tpu.memory_space<hbm>> -> memref<128x128xf32, #tpu.memory_space<hbm>>
      %dma_wait3A_558 = arith.constant 256 : i32
      %dma_wait3A_559 = tpu.memref_slice %arg6[%add3A_419, %dma_wait3A_558] : memref<8192x384xf32, #tpu.memory_space<hbm>> -> memref<128x128xf32, #tpu.memory_space<hbm>>
      %dma_wait3A_560 = arith.constant 0 : i32
      %dma_wait3A_561 = arith.constant 0 : i32
      %dma_wait3A_562 = tpu.memref_slice %arg9[%run_scoped3A, %dma_wait3A_560, %dma_wait3A_561] : memref<2x128x128xf32, #tpu.memory_space<vmem>> -> memref<1x128x128xf32, #tpu.memory_space<vmem>>
      %dma_wait3A_563 = tpu.memref_squeeze %dma_wait3A_562 : memref<1x128x128xf32, #tpu.memory_space<vmem>> -> memref<128x128xf32, #tpu.memory_space<vmem>>
      tpu.wait_dma2 semaphore(%run_scoped3A_539 : memref<!tpu.dma_semaphore, #tpu.memory_space<semaphore_mem>>) src(%dma_wait3A_563 : memref<128x128xf32, #tpu.memory_space<vmem>>) dst(%dma_wait3A_559 : memref<128x128xf32, #tpu.memory_space<hbm>>)
      tpu.yield
    }) : () -> ()
    %dma_wait3A_420 = arith.constant 256 : i32
    %dma_wait3A_421 = tpu.memref_slice %arg6[%multiple_of3A_11, %dma_wait3A_420] : memref<8192x384xf32, #tpu.memory_space<hbm>> -> memref<128x128xf32, #tpu.memory_space<hbm>>
    %dma_wait3A_422 = arith.constant 256 : i32
    %dma_wait3A_423 = tpu.memref_slice %arg6[%multiple_of3A_11, %dma_wait3A_422] : memref<8192x384xf32, #tpu.memory_space<hbm>> -> memref<128x128xf32, #tpu.memory_space<hbm>>
    tpu.wait_dma2 semaphore(%arg22 : memref<!tpu.dma_semaphore, #tpu.memory_space<semaphore_mem>>) src(%arg10 : memref<128x128xf32, #tpu.memory_space<vmem>>) dst(%dma_wait3A_423 : memref<128x128xf32, #tpu.memory_space<hbm>>)
    %barrier3A_424 = arith.constant 0 : index
    tpu.barrier barrier_id(%barrier3A_424)
    %mul3A_425 = arith.constant 4096 : i32
    %mul3A_426 = arith.muli %arg0, %mul3A_425 : i32
    %mul3A_427 = arith.constant 256 : i32
    %mul3A_428 = arith.muli %arg1, %mul3A_427 : i32
    %add3A_429 = arith.addi %mul3A_426, %mul3A_428 : i32
    %multiple_of3A_430 = tpu.assume_multiple %add3A_429, 256 : i32
    %dma_start3A_431 = arith.constant 0 : i32
    %dma_start3A_432 = arith.constant 0 : i32
    %dma_start3A_433 = arith.constant 0 : i32
    %dma_start3A_434 = tpu.memref_slice %arg9[%dma_start3A_431, %dma_start3A_432, %dma_start3A_433] : memref<2x128x128xf32, #tpu.memory_space<vmem>> -> memref<1x128x128xf32, #tpu.memory_space<vmem>>
    %dma_start3A_435 = tpu.memref_squeeze %dma_start3A_434 : memref<1x128x128xf32, #tpu.memory_space<vmem>> -> memref<128x128xf32, #tpu.memory_space<vmem>>
    %dma_start3A_436 = arith.constant 0 : i32
    %dma_start3A_437 = tpu.memref_slice %arg16[%multiple_of3A_430, %dma_start3A_436] : memref<8192x128xf32, #tpu.memory_space<vmem_shared>> -> memref<128x128xf32, #tpu.memory_space<vmem_shared>>
    %dma_start3A_438 = arith.constant 0 : i32
    %dma_start3A_439 = arith.constant 0 : i32
    %dma_start3A_440 = tpu.memref_slice %arg9[%dma_start3A_431, %dma_start3A_438, %dma_start3A_439] : memref<2x128x128xf32, #tpu.memory_space<vmem>> -> memref<1x128x128xf32, #tpu.memory_space<vmem>>
    %dma_start3A_441 = tpu.memref_squeeze %dma_start3A_440 : memref<1x128x128xf32, #tpu.memory_space<vmem>> -> memref<128x128xf32, #tpu.memory_space<vmem>>
    %dma_start3A_442 = arith.constant 0 : i32
    %dma_start3A_443 = tpu.memref_slice %arg16[%multiple_of3A_430, %dma_start3A_442] : memref<8192x128xf32, #tpu.memory_space<vmem_shared>> -> memref<128x128xf32, #tpu.memory_space<vmem_shared>>
    tpu.enqueue_dma source(%dma_start3A_443 : memref<128x128xf32, #tpu.memory_space<vmem_shared>>) target(%dma_start3A_441 : memref<128x128xf32, #tpu.memory_space<vmem>>) target_semaphore(%arg20 : memref<!tpu.dma_semaphore, #tpu.memory_space<semaphore_mem>>)
    %dma_wait3A_444 = arith.constant 0 : i32
    %dma_wait3A_445 = arith.constant 0 : i32
    %dma_wait3A_446 = arith.constant 0 : i32
    %dma_wait3A_447 = tpu.memref_slice %arg9[%dma_wait3A_444, %dma_wait3A_445, %dma_wait3A_446] : memref<2x128x128xf32, #tpu.memory_space<vmem>> -> memref<1x128x128xf32, #tpu.memory_space<vmem>>
    %dma_wait3A_448 = tpu.memref_squeeze %dma_wait3A_447 : memref<1x128x128xf32, #tpu.memory_space<vmem>> -> memref<128x128xf32, #tpu.memory_space<vmem>>
    %dma_wait3A_449 = arith.constant 0 : i32
    %dma_wait3A_450 = tpu.memref_slice %arg16[%multiple_of3A_430, %dma_wait3A_449] : memref<8192x128xf32, #tpu.memory_space<vmem_shared>> -> memref<128x128xf32, #tpu.memory_space<vmem_shared>>
    %dma_wait3A_451 = arith.constant 0 : i32
    %dma_wait3A_452 = arith.constant 0 : i32
    %dma_wait3A_453 = tpu.memref_slice %arg9[%dma_wait3A_444, %dma_wait3A_451, %dma_wait3A_452] : memref<2x128x128xf32, #tpu.memory_space<vmem>> -> memref<1x128x128xf32, #tpu.memory_space<vmem>>
    %dma_wait3A_454 = tpu.memref_squeeze %dma_wait3A_453 : memref<1x128x128xf32, #tpu.memory_space<vmem>> -> memref<128x128xf32, #tpu.memory_space<vmem>>
    %dma_wait3A_455 = arith.constant 0 : i32
    %dma_wait3A_456 = tpu.memref_slice %arg16[%multiple_of3A_430, %dma_wait3A_455] : memref<8192x128xf32, #tpu.memory_space<vmem_shared>> -> memref<128x128xf32, #tpu.memory_space<vmem_shared>>
    tpu.wait_dma2 semaphore(%arg20 : memref<!tpu.dma_semaphore, #tpu.memory_space<semaphore_mem>>) src(%dma_wait3A_456 : memref<128x128xf32, #tpu.memory_space<vmem_shared>>) dst(%dma_wait3A_454 : memref<128x128xf32, #tpu.memory_space<vmem>>)
    %add3A_457 = arith.constant 128 : i32
    %add3A_458 = arith.addi %multiple_of3A_430, %add3A_457 : i32
    %dma_start3A_459 = arith.constant 1 : i32
    %dma_start3A_460 = arith.constant 0 : i32
    %dma_start3A_461 = arith.constant 0 : i32
    %dma_start3A_462 = tpu.memref_slice %arg9[%dma_start3A_459, %dma_start3A_460, %dma_start3A_461] : memref<2x128x128xf32, #tpu.memory_space<vmem>> -> memref<1x128x128xf32, #tpu.memory_space<vmem>>
    %dma_start3A_463 = tpu.memref_squeeze %dma_start3A_462 : memref<1x128x128xf32, #tpu.memory_space<vmem>> -> memref<128x128xf32, #tpu.memory_space<vmem>>
    %dma_start3A_464 = arith.constant 0 : i32
    %dma_start3A_465 = tpu.memref_slice %arg16[%add3A_458, %dma_start3A_464] : memref<8192x128xf32, #tpu.memory_space<vmem_shared>> -> memref<128x128xf32, #tpu.memory_space<vmem_shared>>
    %dma_start3A_466 = arith.constant 0 : i32
    %dma_start3A_467 = arith.constant 0 : i32
    %dma_start3A_468 = tpu.memref_slice %arg9[%dma_start3A_459, %dma_start3A_466, %dma_start3A_467] : memref<2x128x128xf32, #tpu.memory_space<vmem>> -> memref<1x128x128xf32, #tpu.memory_space<vmem>>
    %dma_start3A_469 = tpu.memref_squeeze %dma_start3A_468 : memref<1x128x128xf32, #tpu.memory_space<vmem>> -> memref<128x128xf32, #tpu.memory_space<vmem>>
    %dma_start3A_470 = arith.constant 0 : i32
    %dma_start3A_471 = tpu.memref_slice %arg16[%add3A_458, %dma_start3A_470] : memref<8192x128xf32, #tpu.memory_space<vmem_shared>> -> memref<128x128xf32, #tpu.memory_space<vmem_shared>>
    tpu.enqueue_dma source(%dma_start3A_471 : memref<128x128xf32, #tpu.memory_space<vmem_shared>>) target(%dma_start3A_469 : memref<128x128xf32, #tpu.memory_space<vmem>>) target_semaphore(%arg20 : memref<!tpu.dma_semaphore, #tpu.memory_space<semaphore_mem>>)
    %dma_start3A_472 = arith.constant 0 : i32
    %dma_start3A_473 = arith.constant 0 : i32
    %dma_start3A_474 = arith.constant 0 : i32
    %dma_start3A_475 = tpu.memref_slice %arg9[%dma_start3A_472, %dma_start3A_473, %dma_start3A_474] : memref<2x128x128xf32, #tpu.memory_space<vmem>> -> memref<1x128x128xf32, #tpu.memory_space<vmem>>
    %dma_start3A_476 = tpu.memref_squeeze %dma_start3A_475 : memref<1x128x128xf32, #tpu.memory_space<vmem>> -> memref<128x128xf32, #tpu.memory_space<vmem>>
    %dma_start3A_477 = arith.constant 0 : i32
    %dma_start3A_478 = tpu.memref_slice %arg6[%multiple_of3A_430, %dma_start3A_477] : memref<8192x384xf32, #tpu.memory_space<hbm>> -> memref<128x128xf32, #tpu.memory_space<hbm>>
    %dma_start3A_479 = arith.constant 0 : i32
    %dma_start3A_480 = tpu.memref_slice %arg6[%multiple_of3A_430, %dma_start3A_479] : memref<8192x384xf32, #tpu.memory_space<hbm>> -> memref<128x128xf32, #tpu.memory_space<hbm>>
    %dma_start3A_481 = arith.constant 0 : i32
    %dma_start3A_482 = arith.constant 0 : i32
    %dma_start3A_483 = tpu.memref_slice %arg9[%dma_start3A_472, %dma_start3A_481, %dma_start3A_482] : memref<2x128x128xf32, #tpu.memory_space<vmem>> -> memref<1x128x128xf32, #tpu.memory_space<vmem>>
    %dma_start3A_484 = tpu.memref_squeeze %dma_start3A_483 : memref<1x128x128xf32, #tpu.memory_space<vmem>> -> memref<128x128xf32, #tpu.memory_space<vmem>>
    tpu.enqueue_dma source(%dma_start3A_484 : memref<128x128xf32, #tpu.memory_space<vmem>>) target(%dma_start3A_480 : memref<128x128xf32, #tpu.memory_space<hbm>>) target_semaphore(%arg18 : memref<!tpu.dma_semaphore, #tpu.memory_space<semaphore_mem>>)
    %dma_wait3A_485 = arith.constant 1 : i32
    %dma_wait3A_486 = arith.constant 0 : i32
    %dma_wait3A_487 = arith.constant 0 : i32
    %dma_wait3A_488 = tpu.memref_slice %arg9[%dma_wait3A_485, %dma_wait3A_486, %dma_wait3A_487] : memref<2x128x128xf32, #tpu.memory_space<vmem>> -> memref<1x128x128xf32, #tpu.memory_space<vmem>>
    %dma_wait3A_489 = tpu.memref_squeeze %dma_wait3A_488 : memref<1x128x128xf32, #tpu.memory_space<vmem>> -> memref<128x128xf32, #tpu.memory_space<vmem>>
    %dma_wait3A_490 = arith.constant 0 : i32
    %dma_wait3A_491 = tpu.memref_slice %arg16[%multiple_of3A_430, %dma_wait3A_490] : memref<8192x128xf32, #tpu.memory_space<vmem_shared>> -> memref<128x128xf32, #tpu.memory_space<vmem_shared>>
    %dma_wait3A_492 = arith.constant 0 : i32
    %dma_wait3A_493 = arith.constant 0 : i32
    %dma_wait3A_494 = tpu.memref_slice %arg9[%dma_wait3A_485, %dma_wait3A_492, %dma_wait3A_493] : memref<2x128x128xf32, #tpu.memory_space<vmem>> -> memref<1x128x128xf32, #tpu.memory_space<vmem>>
    %dma_wait3A_495 = tpu.memref_squeeze %dma_wait3A_494 : memref<1x128x128xf32, #tpu.memory_space<vmem>> -> memref<128x128xf32, #tpu.memory_space<vmem>>
    %dma_wait3A_496 = arith.constant 0 : i32
    %dma_wait3A_497 = tpu.memref_slice %arg16[%multiple_of3A_430, %dma_wait3A_496] : memref<8192x128xf32, #tpu.memory_space<vmem_shared>> -> memref<128x128xf32, #tpu.memory_space<vmem_shared>>
    tpu.wait_dma2 semaphore(%arg20 : memref<!tpu.dma_semaphore, #tpu.memory_space<semaphore_mem>>) src(%dma_wait3A_497 : memref<128x128xf32, #tpu.memory_space<vmem_shared>>) dst(%dma_wait3A_495 : memref<128x128xf32, #tpu.memory_space<vmem>>)
    %add3A_498 = arith.constant 128 : i32
    %add3A_499 = arith.addi %multiple_of3A_430, %add3A_498 : i32
    %dma_start3A_500 = arith.constant 1 : i32
    %dma_start3A_501 = arith.constant 0 : i32
    %dma_start3A_502 = arith.constant 0 : i32
    %dma_start3A_503 = tpu.memref_slice %arg9[%dma_start3A_500, %dma_start3A_501, %dma_start3A_502] : memref<2x128x128xf32, #tpu.memory_space<vmem>> -> memref<1x128x128xf32, #tpu.memory_space<vmem>>
    %dma_start3A_504 = tpu.memref_squeeze %dma_start3A_503 : memref<1x128x128xf32, #tpu.memory_space<vmem>> -> memref<128x128xf32, #tpu.memory_space<vmem>>
    %dma_start3A_505 = arith.constant 0 : i32
    %dma_start3A_506 = tpu.memref_slice %arg6[%add3A_499, %dma_start3A_505] : memref<8192x384xf32, #tpu.memory_space<hbm>> -> memref<128x128xf32, #tpu.memory_space<hbm>>
    %dma_start3A_507 = arith.constant 0 : i32
    %dma_start3A_508 = tpu.memref_slice %arg6[%add3A_499, %dma_start3A_507] : memref<8192x384xf32, #tpu.memory_space<hbm>> -> memref<128x128xf32, #tpu.memory_space<hbm>>
    %dma_start3A_509 = arith.constant 0 : i32
    %dma_start3A_510 = arith.constant 0 : i32
    %dma_start3A_511 = tpu.memref_slice %arg9[%dma_start3A_500, %dma_start3A_509, %dma_start3A_510] : memref<2x128x128xf32, #tpu.memory_space<vmem>> -> memref<1x128x128xf32, #tpu.memory_space<vmem>>
    %dma_start3A_512 = tpu.memref_squeeze %dma_start3A_511 : memref<1x128x128xf32, #tpu.memory_space<vmem>> -> memref<128x128xf32, #tpu.memory_space<vmem>>
    tpu.enqueue_dma source(%dma_start3A_512 : memref<128x128xf32, #tpu.memory_space<vmem>>) target(%dma_start3A_508 : memref<128x128xf32, #tpu.memory_space<hbm>>) target_semaphore(%arg18 : memref<!tpu.dma_semaphore, #tpu.memory_space<semaphore_mem>>)
    %dma_wait3A_513 = arith.constant 0 : i32
    %dma_wait3A_514 = arith.constant 0 : i32
    %dma_wait3A_515 = arith.constant 0 : i32
    %dma_wait3A_516 = tpu.memref_slice %arg9[%dma_wait3A_513, %dma_wait3A_514, %dma_wait3A_515] : memref<2x128x128xf32, #tpu.memory_space<vmem>> -> memref<1x128x128xf32, #tpu.memory_space<vmem>>
    %dma_wait3A_517 = tpu.memref_squeeze %dma_wait3A_516 : memref<1x128x128xf32, #tpu.memory_space<vmem>> -> memref<128x128xf32, #tpu.memory_space<vmem>>
    %dma_wait3A_518 = arith.constant 0 : i32
    %dma_wait3A_519 = tpu.memref_slice %arg6[%multiple_of3A_430, %dma_wait3A_518] : memref<8192x384xf32, #tpu.memory_space<hbm>> -> memref<128x128xf32, #tpu.memory_space<hbm>>
    %dma_wait3A_520 = arith.constant 0 : i32
    %dma_wait3A_521 = tpu.memref_slice %arg6[%multiple_of3A_430, %dma_wait3A_520] : memref<8192x384xf32, #tpu.memory_space<hbm>> -> memref<128x128xf32, #tpu.memory_space<hbm>>
    %dma_wait3A_522 = arith.constant 0 : i32
    %dma_wait3A_523 = arith.constant 0 : i32
    %dma_wait3A_524 = tpu.memref_slice %arg9[%dma_wait3A_513, %dma_wait3A_522, %dma_wait3A_523] : memref<2x128x128xf32, #tpu.memory_space<vmem>> -> memref<1x128x128xf32, #tpu.memory_space<vmem>>
    %dma_wait3A_525 = tpu.memref_squeeze %dma_wait3A_524 : memref<1x128x128xf32, #tpu.memory_space<vmem>> -> memref<128x128xf32, #tpu.memory_space<vmem>>
    tpu.wait_dma2 semaphore(%arg18 : memref<!tpu.dma_semaphore, #tpu.memory_space<semaphore_mem>>) src(%dma_wait3A_525 : memref<128x128xf32, #tpu.memory_space<vmem>>) dst(%dma_wait3A_521 : memref<128x128xf32, #tpu.memory_space<hbm>>)
    %dma_wait3A_526 = arith.constant 0 : i32
    %dma_wait3A_527 = arith.constant 0 : i32
    %dma_wait3A_528 = arith.constant 0 : i32
    %dma_wait3A_529 = tpu.memref_slice %arg9[%dma_wait3A_526, %dma_wait3A_527, %dma_wait3A_528] : memref<2x128x128xf32, #tpu.memory_space<vmem>> -> memref<1x128x128xf32, #tpu.memory_space<vmem>>
    %dma_wait3A_530 = tpu.memref_squeeze %dma_wait3A_529 : memref<1x128x128xf32, #tpu.memory_space<vmem>> -> memref<128x128xf32, #tpu.memory_space<vmem>>
    %dma_wait3A_531 = arith.constant 0 : i32
    %dma_wait3A_532 = tpu.memref_slice %arg6[%multiple_of3A_430, %dma_wait3A_531] : memref<8192x384xf32, #tpu.memory_space<hbm>> -> memref<128x128xf32, #tpu.memory_space<hbm>>
    %dma_wait3A_533 = arith.constant 0 : i32
    %dma_wait3A_534 = tpu.memref_slice %arg6[%multiple_of3A_430, %dma_wait3A_533] : memref<8192x384xf32, #tpu.memory_space<hbm>> -> memref<128x128xf32, #tpu.memory_space<hbm>>
    %dma_wait3A_535 = arith.constant 0 : i32
    %dma_wait3A_536 = arith.constant 0 : i32
    %dma_wait3A_537 = tpu.memref_slice %arg9[%dma_wait3A_526, %dma_wait3A_535, %dma_wait3A_536] : memref<2x128x128xf32, #tpu.memory_space<vmem>> -> memref<1x128x128xf32, #tpu.memory_space<vmem>>
    %dma_wait3A_538 = tpu.memref_squeeze %dma_wait3A_537 : memref<1x128x128xf32, #tpu.memory_space<vmem>> -> memref<128x128xf32, #tpu.memory_space<vmem>>
    tpu.wait_dma2 semaphore(%arg18 : memref<!tpu.dma_semaphore, #tpu.memory_space<semaphore_mem>>) src(%dma_wait3A_538 : memref<128x128xf32, #tpu.memory_space<vmem>>) dst(%dma_wait3A_534 : memref<128x128xf32, #tpu.memory_space<hbm>>)
    return
  }
}

</mosaic_0001>

<sc_bundles>
// kernel: kernel.3.cloned.1.call-start
scs
__scs_entry_jumppad:
0x0: {  	(pc) =	sbr.rel $0x88, $3  }
0x1: {  	(tag) =	ssettag $0x0;
	lr =	simm.s32 $0x1  }
0x2: {  	[smem:$0x3F9D] =	sst lr;
	_ =	strace $0xD0000000  }
0x3: {  	_ = 	snop  }
0x4: {  	_ = 	snop  }
0x5: {  	_ = 	snop  }
0x6: {  	_ = 	snop  }
0x7: {  	_ = 	snop  }
__scs_overlays_trampoline_lowered:
0x8: {  	[smem:$0x3FAC] =	sst s0  }
0x9: {  	[smem:$0x3FAD] =	sst s1  }
0xa: {  	[smem:$0x3FAE] =	sst s2  }
0xb: {  	[smem:$0x3FAF] =	sst s3  }
0xc: {  	[smem:$0x3FB0] =	sst s4  }
0xd: {  	[smem:$0x3FB1] =	sst s5  }
0xe: {  	[smem:$0x3FB2] =	sst s6  }
0xf: {  	[smem:$0x3FB3] =	sst s7  }
0x10: {  	[smem:$0x3FB4] =	sst s8  }
0x11: {  	[smem:$0x3FB5] =	sst s9;
	s0 =	simm.s32 @!p0 $0x0  }
0x12: {  	s1 =	sld [smem:$0x3F9B];
	s0 =	simm.s32 @p0 $0x1  }
0x13: {  	[smem:$0x3FB6] =	sst s0;
	s0 =	simm.s32 @!p1 $0x0  }
0x14: {  	s2 =	sld [smem:$0x3F9A];
	s0 =	simm.s32 @p1 $0x1  }
0x15: {  	[smem:$0x3FB7] =	sst s0;
	s0 =	simm.s32 @!p2 $0x0  }
0x16: {  	s3 =	sld [smem:$0x3FDB];
	s0 =	simm.s32 @p2 $0x1  }
0x17: {  	s4 =	simm.s32 $0x1BF5;
	[smem:$0x3FB9] =	sst s0  }
0x18: {  	s0 =	sld [smem:$0x3F9C];
	_ =	swait.ge [sflag:s4], $0x0  }
0x19: {  	s7 =	sld [smem:$0x3F9D]  }
0x1a: {  	s8 =	sadd.s32 $0xFFFFE003, lr  }
0x1b: {  	s9 =	sadd.s32 $0xFFFFFEF7, lr;
	s5 =	simm.s32 $0xFFFFFFFF;
	p2 =	slt.u32 s8, $0xFFFFF086  }
0x1c: {  	p1 =	slt.u32 s9, $0xF7A;
	s5 =	simm.s32 @!p2 $0x0  }
0x1d: {  	s5 =	simm.s32 @p1 $0x1;
	p0 =	seq.s32 s7, s2  }
0x1e: {  	s7 =	smul.u32 @!p0 $0xF7A, s2;
	p2 =	seq.s32 @!p0 s5, $0x0  }
0x1f: {  	s9 =	smul.u32 $0xF7A, s1;
	s8 =	simm.s32 @!p0 $0x1BF5;
	p2 =	por !p2, p0  }
0x20: {  	[sflag:s8] =	ssyncset.s32 @!p0 $0xFFFFF086;
	s6 =	sadd.s32 @!p0 s3, s7;
	s7 =	simm.s32 @!p0 $0x108  }
0x21: {  	s3 =	sadd.s32 s3, s9;
	s6 =	sadd.s32 @!p0 $0x88, s6;
	s7 =	simm.s32 @p2 $0x1082  }
0x22: {  	[simem:s7], [sflag:s8] =	dma.local @!p0 [hbm:s6], $0xF7A  }
0x23: {  	s9 =	sor.u32 $0xD0000000, s2;
	s6 =	simm.s32 $0x108;
	_ =	swait.ge @!p0 [sflag:s8], $0x0  }
0x24: {  	s3 =	sadd.s32 $0x88, s3;
	s6 =	simm.s32 @!p1 $0x1082;
	[sflag:s4] =	ssyncset.s32 $0xFFFFF086  }
0x25: {  	[simem:s6], [sflag:s4] =	dma.local [hbm:s3], $0xF7A  }
0x26: {  	[smem:$0x3F9D] =	sst s1;
	(tag) =	ssettag s2;
	_ =	strace s9  }
0x27: {  	s1 =	sld [smem:$0x3FAD]  }
0x28: {  	s2 =	sld [smem:$0x3FAE]  }
0x29: {  	s4 =	sld [smem:$0x3FB0]  }
0x2a: {  	p0 =	seq.s32 s5, $0x0;
	s5 =	sld [smem:$0x3FB1]  }
0x2b: {  	s6 =	sld [smem:$0x3FB2]  }
0x2c: {  	s7 =	sld [smem:$0x3FB3]  }
0x2d: {  	s3 =	simm.s32 $0x108;
	s8 =	sld [smem:$0x3FB4]  }
0x2e: {  	s3 =	simm.s32 @!p0 $0x1082;
	s9 =	sld [smem:$0x3FB5]  }
0x2f: {  	lr =	sadd.s32 s0, s3;
	s0 =	sld [smem:$0x3FAC]  }
0x30: {  	s3 =	sld [smem:$0x3FAF]  }
0x31: {  	[smem:$0x3FB8] =	sst s10  }
0x32: {  	s10 =	sld [smem:$0x3FB6];
	_ =	sdelay $0x3  }
0x33: {  	p0 =	seq.s32 s10, $0x1;
	s10 =	sld [smem:$0x3FB8];
	_ =	sdelay $0x3  }
0x34: {  	[smem:$0x3FB8] =	sst s10  }
0x35: {  	s10 =	sld [smem:$0x3FB7];
	_ =	sdelay $0x3  }
0x36: {  	p1 =	seq.s32 s10, $0x1;
	s10 =	sld [smem:$0x3FB8];
	_ =	sdelay $0x3  }
0x37: {  	[smem:$0x3FB8] =	sst s10  }
0x38: {  	s10 =	sld [smem:$0x3FB9]  }
0x39: {  	_ = 	snop;
	(pc) =	sbr.ind lr, $3  }
0x3a: {  	_ = 	snop  }
0x3b: {  	_ = 	snop  }
0x3c: {  	p2 =	seq.s32 s10, $0x1;
	s10 =	sld [smem:$0x3FB8]  }
0x3d: {  	_ =	shalt  }
0x3e: {  	_ =	shalt  }
0x3f: {  	_ =	shalt  }
0x40: {  	_ =	shalt  }
0x41: {  	_ =	shalt  }
0x42: {  	_ =	shalt  }
0x43: {  	_ =	shalt  }
0x44: {  	_ =	shalt  }
0x45: {  	_ =	shalt  }
0x46: {  	_ =	shalt  }
0x47: {  	_ =	shalt  }
0x48: {  	_ =	shalt  }
0x49: {  	_ =	shalt  }
0x4a: {  	_ =	shalt  }
0x4b: {  	_ =	shalt  }
0x4c: {  	_ =	shalt  }
0x4d: {  	_ =	shalt  }
0x4e: {  	_ =	shalt  }
0x4f: {  	_ =	shalt  }
0x50: {  	_ =	shalt  }
0x51: {  	_ =	shalt  }
0x52: {  	_ =	shalt  }
0x53: {  	_ =	shalt  }
0x54: {  	_ =	shalt  }
0x55: {  	_ =	shalt  }
0x56: {  	_ =	shalt  }
0x57: {  	_ =	shalt  }
0x58: {  	_ =	shalt  }
0x59: {  	_ =	shalt  }
0x5a: {  	_ =	shalt  }
0x5b: {  	_ =	shalt  }
0x5c: {  	_ =	shalt  }
0x5d: {  	_ =	shalt  }
0x5e: {  	_ =	shalt  }
0x5f: {  	_ =	shalt  }
0x60: {  	_ =	shalt  }
0x61: {  	_ =	shalt  }
0x62: {  	_ =	shalt  }
0x63: {  	_ =	shalt  }
0x64: {  	_ =	shalt  }
0x65: {  	_ =	shalt  }
0x66: {  	_ =	shalt  }
0x67: {  	_ =	shalt  }
0x68: {  	_ =	shalt  }
0x69: {  	_ =	shalt  }
0x6a: {  	_ =	shalt  }
0x6b: {  	_ =	shalt  }
0x6c: {  	_ =	shalt  }
0x6d: {  	_ =	shalt  }
0x6e: {  	_ =	shalt  }
0x6f: {  	_ =	shalt  }
0x70: {  	_ =	shalt  }
0x71: {  	_ =	shalt  }
0x72: {  	_ =	shalt  }
0x73: {  	_ =	shalt  }
0x74: {  	_ =	shalt  }
0x75: {  	_ =	shalt  }
0x76: {  	_ =	shalt  }
0x77: {  	_ =	shalt  }
0x78: {  	_ =	shalt  }
0x79: {  	_ =	shalt  }
0x7a: {  	_ =	shalt  }
0x7b: {  	_ =	shalt  }
0x7c: {  	_ =	shalt  }
0x7d: {  	_ =	shalt  }
0x7e: {  	_ =	shalt  }
0x7f: {  	_ =	shalt  }
0x80: {  	_ =	shalt  }
0x81: {  	_ =	shalt  }
0x82: {  	_ =	shalt  }
0x83: {  	_ =	shalt  }
0x84: {  	_ =	shalt  }
0x85: {  	_ =	shalt  }
0x86: {  	_ =	shalt  }
0x87: {  	_ =	shalt  }
.Lfunc_end0:
.L_simem_size_0:
called_computation_lowered:
.L_overlay_start_0:
0x88: {  	s2 =	sld [smem:$0x3FD9]  }
0x89: {  	s3 =	sld [smem:$0x3FFE];
	_ =	sdelay $0x1  }
0x8a: {  	s1 =	srdreg.scid  }
0x8b: {  	s0 =	sand.u32 $0x1, s1  }
0x8c: {  	s18 =	sshll.u32 s0, $0xA;
	s2 =	sadd.s32 s3, s2  }
0x8d: {  	s2 =	sadd.s32 s2, s18  }
0x8e: {  	[smem:$0x3FC4] =	sst s2  }
0x8f: {  	_ = 	snop  }
0x90: {  	s2 =	sld [smem:$0x3FC9]  }
0x91: {  	s19 =	sld [smem:$0x3FC8]  }
0x92: {  	s4 =	sld [smem:$0x3FC7]  }
0x93: {  	s5 =	sld [smem:$0x3FC6]  }
0x94: {  	s6 =	sld [smem:$0x3FD0];
	(tm) =	ssettm $0x1  }
0x95: {  	s7 =	sld [smem:$0x3FFB];
	_ =	sdelay $0x3  }
0x96: {  	_ =	strace s7  }
0x97: {  	s7 =	sld [smem:$0x3FFC];
	_ =	sdelay $0x3  }
0x98: {  	_ =	strace s7  }
0x99: {  	s7 =	sld [smem:$0x3FFD];
	_ =	sdelay $0x3  }
0x9a: {  	_ =	strace s7  }
0x9b: {  	_ =	strace $0x8FFFFFFF  }
0x9c: {  	s20 =	sld [smem:$0x3FDB];
	_ =	sdelay $0x1  }
0x9d: {  	s8 =	simm.s32 $_scs_section_size  }
0x9e: {  	s9 =	simm.s32 $_size__tile_overlayer_lowered;
	s10 =	simm.s32 $_tile_overlayer_lowered  }
0x9f: {  	s23 =	simm.s32 $0x1BFF;
	s22 =	sshll.u32 s10, $0x1;
	s7 =	sadd.s32 s8, s20  }
0xa0: {  	s11 =	simm.s32 $0x0;
	s21 =	sshll.u32 s9, $0x1;
	s9 =	sadd.s32 s22, s7  }
0xa1: {  	[timem:s11], [sflag:s23] =	dma.local [hbm:s9], s21  }
0xa2: {  	_ =	swait.ge [sflag:s23], s21  }
0xa3: {  	s8 =	ssub.s32 $0x0, s21;
	[sflag:s23] =	ssyncset.done $0x0  }
0xa4: {  	[sflag:s23] =	ssyncadd.s32 s8;
	_ =	sdelay $0x1  }
0xa5: {  	s24 =	simm.s32 $0x1B8B  }
0xa6: {  	_ =	swait.ge [sflag:s24], $0x1  }
0xa7: {  	[sflag:s24] =	ssyncset.done $0x0  }
0xa8: {  	s25 =	simm.s32 $0x1B8E;
	[sflag:s24] =	ssyncadd.s32 $0xFFFFFFFF  }
0xa9: {  	s26 =	simm.s32 $execute0_lowered;
	[smem:$0x3FD2] =	sst s25  }
0xaa: {  	s8 =	sshll.u32 s26, $0x1;
	_ =	strace $0x80000046;
	[dreg:$0x1] =	wrdreg $0xFFFFFFFF  }
0xab: {  	s28 =	simm.s32 $_size_execute0_lowered;
	s7 =	sadd.s32 s7, s8;
	[dreg:$0x0] =	wrdreg $0x0  }
0xac: {  	s8 =	sshll.u32 s28, $0x1;
	[dreg:$0x2] =	wrdreg s7  }
0xad: {  	[dreg:$0x3] =	wrdreg s8  }
0xae: {  	[dreg:$0x4] =	wrdreg $0xC0  }
0xaf: {  	_ =	task [dreg:s11], $0x5FFFF  }
0xb0: {  	[dreg:$0x1] =	wrdreg $0xFFFFFFFF  }
0xb1: {  	[dreg:$0x0] =	wrdreg $0x60  }
0xb2: {  	[dreg:$0x2] =	wrdreg s2  }
0xb3: {  	[dreg:$0x3] =	wrdreg s19  }
0xb4: {  	[dreg:$0x4] =	wrdreg s4  }
0xb5: {  	[dreg:$0x5] =	wrdreg s5  }
0xb6: {  	[dreg:$0x6] =	wrdreg s6  }
0xb7: {  	[dreg:$0x7] =	wrdreg $0xF4800  }
0xb8: {  	[dreg:$0x8] =	wrdreg $0x1F4800  }
0xb9: {  	[dreg:$0x9] =	wrdreg $0x9  }
0xba: {  	_ =	task.clear_ibuf [dreg:s11], $0xAFFFF;
	_ =	strace $0x90000046  }
0xbb: {  	s29 =	simm.s32 $0x9;
	_ =	strace $0x80000048  }
0xbc: {  	_ =	swait.ge [sflag:s29], $0x1  }
0xbd: {  	[sflag:s29] =	ssyncadd.s32 $0xFFFFFFFF  }
0xbe: {  	_ =	strace $0x90000048  }
0xbf: {  	_ =	sfence  }
0xc0: {  	s30 =	sld [smem:$0x0];
	_ =	sdelay $0x2  }
0xc1: {  	s31 =	sshll.u32 s1, $0xD;
	s1 =	sshrl.u32 s1, $0x2  }
0xc2: {  	s3 =	sand.u32 $0x4000, s31;
	s1 =	sadd.s32 s1, s30  }
0xc3: {  	s0 =	sor.u32 s3, s0;
	s1 =	sshll.u32 s1, $0x11  }
0xc4: {  	s0 =	sor.u32 s1, s0  }
0xc5: {  	s0 =	sadd.s32 $0x8F2B, s0  }
0xc6: {  	[sflag:s0] =	ssyncadd.remote.s32 $0x1  }
0xc7: {  	_ =	sfence.sel $0xFFFF  }
0xc8: {  	[dreg:$0x0] =	wrdreg $0xFFFFFFFF;
	(pc) =	sbr.abs _section_cstart, $3  }
0xc9: {  	[dreg:$0x1] =	wrdreg $0xFFFFFFFF  }
0xca: {  	_ =	task.clear_ibuf [dreg:s11], $0x2FFFF;
	_ =	strace $0x9FFFFFFF  }
0xcb: {  	(tm) =	ssettm $0x7FFFFFFF  }
tec
execute0_lowered:
.L_overlay_start_1:
0x0: {  	(tag) =	ssettag $0x1  }
0x1: {  	s0 =	rddreg [dreg:$0x0]  }
0x2: {  	s2 =	rddreg [dreg:$0x1]  }
0x3: {  	s1 =	rddreg [dreg:$0x2]  }
0x4: {  	s4 =	rddreg [dreg:$0x3]  }
0x5: {  	s5 =	rddreg [dreg:$0x4]  }
0x6: {  	s3 =	rddreg [dreg:$0x5]  }
0x7: {  	s15 =	rddreg [dreg:$0x6];
	s6 =	simm.s32 $0x0;
	s7 =	srdreg.scid  }
0x8: {  	s16 =	stileid.u32;
	[smem:$0x7FF] =	sst s6  }
0x9: {  	s7 =	sand.u32 $0x1, s7;
	s9 =	smul.u32 $0x310, s16;
	s12 =	sshll.u32 s16, $0x8  }
0xa: {  	s25 =	sadd.s32 $0x2DF0, s2;
	_ =	strace $0x80000047;
	s8 =	ssub.s32 $0x2, s7  }
0xb: {  	s11 =	sshll.u32 s7, $0xC;
	[dreg:$0x9] =	wrdreg s25;
	s10 =	sshrl.u32 s8, $0x1  }
0xc: {  	s9 =	sadd.s32 s2, s9;
	s8 =	ssub.s32 s8, s10;
	s10 =	sor.u32 s12, s11  }
0xd: {  	[dreg:$0x8] =	wrdreg s9;
	s11 =	sshrl.u32 s10, $0x3;
	s8 =	smax.u32 s8, $0x1  }
0xe: {  	s12 =	sor.u32 $0x80, s10;
	s13 =	sadd.s32 s1, s11;
	[dreg:$0x18] =	wrdreg s8  }
0xf: {  	s26 =	sshrl.u32 s12, $0x3;
	s14 =	sadd.s32 s4, s11;
	[dreg:$0xa] =	wrdreg s13  }
0x10: {  	s17 =	sadd.s32 $0x80, s5;
	[dreg:$0xb] =	wrdreg s14;
	s1 =	sadd.s32 s1, s26  }
0x11: {  	s11 =	smul.u32 $0x180, s11;
	s4 =	sadd.s32 s4, s26;
	[dreg:$0xc] =	wrdreg s1  }
0x12: {  	s18 =	smul.u32 $0x180, s26;
	s26 =	sadd.s32 $0x186800, s0;
	[dreg:$0xd] =	wrdreg s4  }
0x13: {  	s21 =	sadd.s32 $0x100, s5;
	s20 =	sadd.s32 s11, s17;
	[dreg:$0x15] =	wrdreg s26  }
0x14: {  	s22 =	sadd.s32 s11, s21;
	[dreg:$0xe] =	wrdreg s20  }
0x15: {  	s1 =	sadd.s32 s5, s11;
	[dreg:$0x10] =	wrdreg s22  }
0x16: {  	s26 =	sadd.s32 $0x8000, s0;
	[dreg:$0x12] =	wrdreg s1  }
0x17: {  	s19 =	sshll.u32 s16, $0x10;
	s4 =	sadd.s32 s18, s17;
	[smem:$0x7FD] =	sst s26  }
0x18: {  	s25 =	sshll.u32 s16, $0x7;
	s23 =	sadd.s32 s18, s21;
	[dreg:$0xf] =	wrdreg s4  }
0x19: {  	p0 =	seq.s32 s7, $0x0;
	s24 =	sadd.s32 s5, s18;
	[dreg:$0x11] =	wrdreg s23  }
0x1a: {  	s1 =	sadd.s32 s25, s15;
	s5 =	sshll.u32 s12, $0x7;
	[dreg:$0x13] =	wrdreg s24  }
0x1b: {  	s20 =	sadd.s32 s19, s3;
	[dreg:$0x14] =	wrdreg s1;
	s7 =	sadd.s32 s5, s3  }
0x1c: {  	s4 =	sshll.u32 s10, $0x7;
	s10 =	sadd.s32 $0x1000, s20;
	[dreg:$0x17] =	wrdreg s7  }
0x1d: {  	s11 =	sadd.s32 $0x2000, s20;
	[dreg:$0x19] =	wrdreg s10  }
0x1e: {  	s12 =	sadd.s32 $0x3000, s20;
	[dreg:$0x1a] =	wrdreg s11  }
0x1f: {  	s13 =	sadd.s32 $0x4000, s20;
	[dreg:$0x1b] =	wrdreg s12  }
0x20: {  	s14 =	sadd.s32 $0x5000, s20;
	[dreg:$0x1c] =	wrdreg s13  }
0x21: {  	p1 =	seq.s32 s16, $0xF;
	s15 =	sadd.s32 $0x6000, s20;
	[dreg:$0x1d] =	wrdreg s14  }
0x22: {  	p2 =	sne.s32 s16, $0xF;
	s16 =	sadd.s32 $0x7000, s20;
	[dreg:$0x1e] =	wrdreg s15  }
0x23: {  	s17 =	sadd.s32 $0x8000, s20;
	[dreg:$0x1f] =	wrdreg s16  }
0x24: {  	s28 =	simm.s32 $0xC00;
	s18 =	sadd.s32 $0x9000, s20;
	[smem:$0x7F5] =	sst s17  }
0x25: {  	s29 =	simm.s32 $0x3;
	s19 =	sadd.s32 $0xA000, s20;
	[smem:$0x7F6] =	sst s18  }
0x26: {  	s30 =	simm.s32 $0x5;
	s21 =	sadd.s32 $0xB000, s20;
	[smem:$0x7F7] =	sst s19  }
0x27: {  	s31 =	simm.s32 $0x0;
	s22 =	sadd.s32 $0xC000, s20;
	[smem:$0x7F8] =	sst s21  }
0x28: {  	s9 =	sadd.s32 $0x30D0, s2;
	s23 =	sadd.s32 $0xD000, s20;
	[smem:$0x7F9] =	sst s22  }
0x29: {  	s26 =	simm.s32 $0x400;
	s24 =	sadd.s32 $0xE000, s20;
	[smem:$0x7FA] =	sst s23  }
.Ltmp0:
0x2a: {  	s25 =	sadd.s32 $0xF000, s20;
	[smem:$0x7FB] =	sst s24;
	(pc) =	sbr.rel .LBB2_1-.Ltmp0, $4  }
0x2b: {  	s1 =	sadd.s32 s4, s3;
	[smem:$0x7FC] =	sst s25;
	s16 =	simm.s32 $0x80  }
0x2c: {  	s10 =	simm.s32 $0x180;
	s18 =	simm.s32 $0x2;
	s19 =	simm.s32 $0x300  }
0x2d: {  	s21 =	simm.s32 $0x4300;
	s22 =	simm.s32 $0x8300;
	s23 =	simm.s32 $0xDC00  }
0x2e: {  	v0 =	vimm.f32 $0.0e+00;
	v1 =	vimm.s32 $0x0;
	s24 =	simm.s32 $0x6;
	s25 =	simm.s32 $0x1;
	[dreg:$0x16] =	wrdreg s1  }
.LBB2_8:
0x2f: {  	_ =	swait.ge [sflag:s29], $0x4000  }
0x30: {  	[sflag:s29] =	ssyncset.done $0x0  }
0x31: {  	s1 =	sor.u32 $0x300, s10;
	s4 =	sor.u32 $0x200, s8;
	[sflag:s29] =	ssyncadd.s32 $0xFFFFC000  }
0x32: {  	[spmem:s3] =	stream.indirect.scatter.add.f32 [tilespmem:s1], [sflag:$0x6], $0x80, s4, s16, $0xb8;
	[tilespmem:$0x1F500] =	vst v63  }
0x33: {  	_ =	swait.ge [sflag:s24], $0x4000  }
0x34: {  	[sflag:s24] =	ssyncset.done $0x0  }
0x35: {  	s10 =	simm.s32 $0x180;
	[sflag:s24] =	ssyncadd.s32 $0xFFFFC000  }
.LBB2_9:
0x36: {  	s1 =	simm.s32 @!p2 $0x0;
	s4 =	simm.s32 @!p2 $0xDB80;
	s5 =	simm.s32 @!p2 $0x6  }
0x37: {  	[tilespmem:s4], [sflag:$0x6] =	stream.linear.gather @!p2 [hbm4b:s9+s1], $0x20, $0x38;
	[tilespmem:$0x1F500] =	vst v63  }
0x38: {  	_ =	swait.ge @!p2 [sflag:s5], $0x20  }
0x39: {  	[sflag:s5] =	ssyncset.done @!p2 $0x0  }
0x3a: {  	s7 =	simm.s32 @!p2 $0xDC00;
	s8 =	rddreg [dreg:$0x15];
	[sflag:s5] =	ssyncadd.s32 @!p2 $0xFFFFFFE0  }
0x3b: {  	[tilespmem:s7], [sflag:$0x6] =	stream.linear.gather @!p2 [hbm4b:s8+s1], $0x1000, $0x38;
	[tilespmem:$0x1F500] =	vst v63  }
0x3c: {  	_ =	swait.ge @!p2 [sflag:s5], $0x1000  }
0x3d: {  	[sflag:s5] =	ssyncset.done @!p2 $0x0  }
0x3e: {  	s1 =	simm.s32 @!p2 $0x20;
	[sflag:s5] =	ssyncadd.s32 @!p2 $0xFFFFF000  }
0x3f: {  	[spmem:s3] =	stream.indirect.scatter.add.f32 @!p2 [tilespmem:s7], [sflag:$0x6], $0x80, s4, s1, $0xb8;
	[tilespmem:$0x1F500] =	vst v63  }
0x40: {  	_ =	swait.ge @!p2 [sflag:s5], $0x1000  }
0x41: {  	[sflag:s5] =	ssyncset.done @!p2 $0x0  }
0x42: {  	[sflag:s5] =	ssyncadd.s32 @!p2 $0xFFFFF000  }
0x43: {  	[tilespmem:s21], [sflag:$0x1] =	stream.indirect.gather [hbm4b:s0+s16], $0x80, s10, s16, $0xb8;
	[tilespmem:$0x1F500] =	vst v63  }
0x44: {  	_ =	swait.ge [sflag:s30], $0x4000  }
0x45: {  	[sflag:s30] =	ssyncset.done $0x0  }
0x46: {  	s8 =	rddreg [dreg:$0x10];
	[sflag:s30] =	ssyncadd.s32 $0xFFFFC000  }
0x47: {  	[hbm4b:s8+s26] =	stream.strided.scatter [tilespmem:s22], [sflag:$0x5], $0x4000, s28, s26, $0x38;
	[tilespmem:$0x1F500] =	vst v63  }
0x48: {  	_ =	swait.ge [sflag:s25], $0x4000  }
0x49: {  	[sflag:s25] =	ssyncset.done $0x0  }
0x4a: {  	s11 =	rddreg [dreg:$0x11];
	[sflag:s25] =	ssyncadd.s32 $0xFFFFC000  }
0x4b: {  	[hbm4b:s11+s26] =	stream.strided.scatter [tilespmem:s21], [sflag:$0x6], $0x4000, s28, s26, $0x38;
	[tilespmem:$0x1F500] =	vst v63  }
0x4c: {  	_ =	swait.ge [sflag:s24], $0x4000  }
0x4d: {  	[sflag:s24] =	ssyncset.done $0x0  }
0x4e: {  	[sflag:s24] =	ssyncadd.s32 $0xFFFFC000  }
0x4f: {  	_ =	swait.ge [sflag:s30], $0x4000  }
0x50: {  	[sflag:s30] =	ssyncset.done $0x0  }
0x51: {  	[sflag:s30] =	ssyncadd.s32 $0xFFFFC000  }
0x52: {  	[bflag:$0x0] =	sbarrier.arrive $0xFFFF  }
0x53: {  	s12 =	rddreg [dreg:$0x16]  }
0x54: {  	[tilespmem:s19], [sflag:$0x3] =	stream.linear.gather [spmem:s12], $0x4000, $0x38;
	[tilespmem:$0x1F500] =	vst v63  }
0x55: {  	_ =	swait.ge [sflag:s29], $0x4000  }
0x56: {  	[sflag:s29] =	ssyncset.done $0x0  }
0x57: {  	s13 =	rddreg [dreg:$0x17];
	[sflag:s29] =	ssyncadd.s32 $0xFFFFC000  }
0x58: {  	[tilespmem:s21], [sflag:$0x3] =	stream.linear.gather [spmem:s13], $0x4000, $0x38;
	[tilespmem:$0x1F500] =	vst v63  }
0x59: {  	s14 =	rddreg [dreg:$0x12]  }
0x5a: {  	[hbm4b:s14+s26] =	stream.strided.scatter [tilespmem:s19], [sflag:$0x1], $0x4000, s28, s26, $0x38;
	[tilespmem:$0x1F500] =	vst v63  }
0x5b: {  	_ =	swait.ge [sflag:s29], $0x4000  }
0x5c: {  	[sflag:s29] =	ssyncset.done $0x0  }
0x5d: {  	s15 =	rddreg [dreg:$0x13];
	[sflag:s29] =	ssyncadd.s32 $0xFFFFC000  }
0x5e: {  	[hbm4b:s15+s26] =	stream.strided.scatter [tilespmem:s21], [sflag:$0x1], $0x4000, s28, s26, $0x38;
	[tilespmem:$0x1F500] =	vst v63  }
0x5f: {  	_ =	swait.ge [sflag:s25], $0x4000  }
0x60: {  	[sflag:s25] =	ssyncset.done $0x0  }
0x61: {  	[sflag:s25] =	ssyncadd.s32 $0xFFFFC000  }
0x62: {  	_ =	swait.ge [sflag:s25], $0x4000  }
0x63: {  	s31 =	sadd.s32 $0x1, s31;
	s17 =	rddreg [dreg:$0x18]  }
0x64: {  	p3 =	sne.s32 s31, s17  }
.Ltmp1:
0x65: {  	_ = 	snop;
	(pc) =	sbr.rel @!p3 .LBB2_10-.Ltmp1, $3  }
0x66: {  	_ =	sdelay $0x1  }
0x67: {  	[sflag:s25] =	ssyncset.done $0x0  }
0x68: {  	[sflag:s25] =	ssyncadd.s32 $0xFFFFC000  }
.LBB2_1:
0x69: {  	s1 =	simm.s32 @p1 $0x0;
	s4 =	simm.s32 @p1 $0xC300;
	s5 =	rddreg [dreg:$0x9]  }
0x6a: {  	[tilespmem:s4], [sflag:$0x4] =	stream.linear.gather @p1 [hbm4b:s5+s1], $0x1720, $0x38;
	[tilespmem:$0x1F500] =	vst v63  }
0x6b: {  	s4 =	simm.s32 @p1 $0xDA20  }
0x6c: {  	[tilespmem:s4], [sflag:$0x4] =	stream.linear.gather @p1 [hbm4b:s9+s1], $0x20, $0x38;
	[tilespmem:$0x1F500] =	vst v63  }
0x6d: {  	s5 =	rddreg [dreg:$0x8];
	s1 =	simm.s32 @!p1 $0x0;
	s4 =	simm.s32 @!p1 $0xC300  }
0x6e: {  	[tilespmem:s4], [sflag:$0x4] =	stream.linear.gather @!p1 [hbm4b:s5+s1], $0x1880, $0x38;
	[tilespmem:$0x1F500] =	vst v63  }
0x6f: {  	s7 =	rddreg [dreg:$0xa]  }
0x70: {  	[tilespmem:s6], [sflag:$0x2] =	stream.linear.gather [hbm4b:s7+s6], $0x80, $0x38;
	[tilespmem:$0x1F500] =	vst v63  }
0x71: {  	s8 =	rddreg [dreg:$0xb];
	s11 =	simm.s32 $0x100  }
0x72: {  	[tilespmem:s11], [sflag:$0x2] =	stream.linear.gather [hbm4b:s8+s6], $0x80, $0x38;
	[tilespmem:$0x1F500] =	vst v63  }
0x73: {  	s12 =	rddreg [dreg:$0xc]  }
0x74: {  	[tilespmem:s16], [sflag:$0x2] =	stream.linear.gather [hbm4b:s12+s6], $0x80, $0x38;
	[tilespmem:$0x1F500] =	vst v63  }
0x75: {  	s13 =	rddreg [dreg:$0xd]  }
0x76: {  	[tilespmem:s10], [sflag:$0x2] =	stream.linear.gather [hbm4b:s13+s6], $0x80, $0x38;
	[tilespmem:$0x1F500] =	vst v63  }
0x77: {  	_ =	swait.ge [sflag:s18], $0x80  }
0x78: {  	[sflag:s18] =	ssyncset.done $0x0  }
0x79: {  	[sflag:s18] =	ssyncadd.s32 $0xFFFFFF80  }
0x7a: {  	_ =	swait.ge [sflag:s18], $0x80  }
0x7b: {  	[sflag:s18] =	ssyncset.done $0x0  }
0x7c: {  	[sflag:s18] =	ssyncadd.s32 $0xFFFFFF80  }
0x7d: {  	_ =	swait.ge [sflag:s18], $0x80  }
0x7e: {  	[sflag:s18] =	ssyncset.done $0x0  }
0x7f: {  	[sflag:s18] =	ssyncadd.s32 $0xFFFFFF80  }
0x80: {  	_ =	swait.ge [sflag:s18], $0x80  }
0x81: {  	[sflag:s18] =	ssyncset.done $0x0  }
0x82: {  	s14 =	sand.u32 $0x3E00, s6;
	[sflag:s18] =	ssyncadd.s32 $0xFFFFFF80  }
0x83: {  	[tilespmem:s19], [sflag:$0x1] =	stream.indirect.gather [hbm4b:s0+s16], $0x80, s6, s16, $0xb8;
	[tilespmem:$0x1F500] =	vst v63  }
0x84: {  	s15 =	sand.u32 $0x70, s6;
	s17 =	sshrl.u32 s14, $0x2  }
0x85: {  	[tilespmem:s21], [sflag:$0x1] =	stream.indirect.gather [hbm4b:s0+s16], $0x80, s16, s16, $0xb8;
	[tilespmem:$0x1F500] =	vst v63  }
0x86: {  	s1 =	simm.s32 $0x40;
	s5 =	sor.u32 s15, s17;
	s4 =	simm.s32 $0x0  }
0x87: {  	[tilespmem:s22], [sflag:$0x5] =	stream.indirect.gather [hbm4b:s0+s16], $0x80, s11, s16, $0xb8;
	[tilespmem:$0x1F500] =	vst v63  }
.LBB2_2:
0x88: {  	p3 =	seq.s32 s1, $0x3FC0  }
0x89: {  	[tilespmem:s5+$0xDC00] =	vst v0;
	s4 =	sadd.s32 $0x10, s4;
	s5 =	smov.u32 s1;
	s1 =	sadd.s32 $0x40, s1  }
.Ltmp2:
0x8a: {  	(pc) =	sbr.rel @!p3 .LBB2_2-.Ltmp2, $4  }
0x8b: {  	_ = 	snop  }
0x8c: {  	s5 =	sand.u32 $0x3E00, s5  }
0x8d: {  	s7 =	sand.u32 $0x70, s4;
	s5 =	sshrl.u32 s5, $0x2  }
0x8e: {  	s5 =	sor.u32 s7, s5  }
0x8f: {  	[tilespmem:s5+$0xDC00] =	vst v0  }
0x90: {  	[spmem:s20] =	stream.linear.scatter [tilespmem:s23], [sflag:$0x6], $0x1000, $0x38;
	[tilespmem:$0x1F500] =	vst v63  }
0x91: {  	_ =	swait.ge [sflag:s24], $0x1000  }
0x92: {  	[sflag:s24] =	ssyncset.done $0x0  }
0x93: {  	s1 =	rddreg [dreg:$0x19];
	[sflag:s24] =	ssyncadd.s32 $0xFFFFF000  }
0x94: {  	[spmem:s1] =	stream.linear.scatter [tilespmem:s23], [sflag:$0x6], $0x1000, $0x38;
	[tilespmem:$0x1F500] =	vst v63  }
0x95: {  	_ =	swait.ge [sflag:s24], $0x1000  }
0x96: {  	[sflag:s24] =	ssyncset.done $0x0  }
0x97: {  	s12 =	rddreg [dreg:$0x1a];
	[sflag:s24] =	ssyncadd.s32 $0xFFFFF000  }
0x98: {  	[spmem:s12] =	stream.linear.scatter [tilespmem:s23], [sflag:$0x6], $0x1000, $0x38;
	[tilespmem:$0x1F500] =	vst v63  }
0x99: {  	_ =	swait.ge [sflag:s24], $0x1000  }
0x9a: {  	[sflag:s24] =	ssyncset.done $0x0  }
0x9b: {  	s13 =	rddreg [dreg:$0x1b];
	[sflag:s24] =	ssyncadd.s32 $0xFFFFF000  }
0x9c: {  	[spmem:s13] =	stream.linear.scatter [tilespmem:s23], [sflag:$0x6], $0x1000, $0x38;
	[tilespmem:$0x1F500] =	vst v63  }
0x9d: {  	_ =	swait.ge [sflag:s24], $0x1000  }
0x9e: {  	[sflag:s24] =	ssyncset.done $0x0  }
0x9f: {  	s14 =	rddreg [dreg:$0x1c];
	[sflag:s24] =	ssyncadd.s32 $0xFFFFF000  }
0xa0: {  	[spmem:s14] =	stream.linear.scatter [tilespmem:s23], [sflag:$0x6], $0x1000, $0x38;
	[tilespmem:$0x1F500] =	vst v63  }
0xa1: {  	_ =	swait.ge [sflag:s24], $0x1000  }
0xa2: {  	[sflag:s24] =	ssyncset.done $0x0  }
0xa3: {  	s15 =	rddreg [dreg:$0x1d];
	[sflag:s24] =	ssyncadd.s32 $0xFFFFF000  }
0xa4: {  	[spmem:s15] =	stream.linear.scatter [tilespmem:s23], [sflag:$0x6], $0x1000, $0x38;
	[tilespmem:$0x1F500] =	vst v63  }
0xa5: {  	_ =	swait.ge [sflag:s24], $0x1000  }
0xa6: {  	[sflag:s24] =	ssyncset.done $0x0  }
0xa7: {  	s17 =	rddreg [dreg:$0x1e];
	[sflag:s24] =	ssyncadd.s32 $0xFFFFF000  }
0xa8: {  	[spmem:s17] =	stream.linear.scatter [tilespmem:s23], [sflag:$0x6], $0x1000, $0x38;
	[tilespmem:$0x1F500] =	vst v63  }
0xa9: {  	_ =	swait.ge [sflag:s24], $0x1000  }
0xaa: {  	[sflag:s24] =	ssyncset.done $0x0  }
0xab: {  	s4 =	rddreg [dreg:$0x1f];
	[sflag:s24] =	ssyncadd.s32 $0xFFFFF000  }
0xac: {  	[spmem:s4] =	stream.linear.scatter [tilespmem:s23], [sflag:$0x6], $0x1000, $0x38;
	[tilespmem:$0x1F500] =	vst v63  }
0xad: {  	_ =	swait.ge [sflag:s24], $0x1000  }
0xae: {  	s5 =	sld [smem:$0x7F5]  }
0xaf: {  	[sflag:s24] =	ssyncset.done $0x0  }
0xb0: {  	[sflag:s24] =	ssyncadd.s32 $0xFFFFF000  }
0xb1: {  	[spmem:s5] =	stream.linear.scatter [tilespmem:s23], [sflag:$0x6], $0x1000, $0x38;
	[tilespmem:$0x1F500] =	vst v63  }
0xb2: {  	_ =	swait.ge [sflag:s24], $0x1000  }
0xb3: {  	s7 =	sld [smem:$0x7F6]  }
0xb4: {  	[sflag:s24] =	ssyncset.done $0x0  }
0xb5: {  	[sflag:s24] =	ssyncadd.s32 $0xFFFFF000  }
0xb6: {  	[spmem:s7] =	stream.linear.scatter [tilespmem:s23], [sflag:$0x6], $0x1000, $0x38;
	[tilespmem:$0x1F500] =	vst v63  }
0xb7: {  	_ =	swait.ge [sflag:s24], $0x1000  }
0xb8: {  	s8 =	sld [smem:$0x7F7]  }
0xb9: {  	[sflag:s24] =	ssyncset.done $0x0  }
0xba: {  	[sflag:s24] =	ssyncadd.s32 $0xFFFFF000  }
0xbb: {  	[spmem:s8] =	stream.linear.scatter [tilespmem:s23], [sflag:$0x6], $0x1000, $0x38;
	[tilespmem:$0x1F500] =	vst v63  }
0xbc: {  	_ =	swait.ge [sflag:s24], $0x1000  }
0xbd: {  	s11 =	sld [smem:$0x7F8]  }
0xbe: {  	[sflag:s24] =	ssyncset.done $0x0  }
0xbf: {  	[sflag:s24] =	ssyncadd.s32 $0xFFFFF000  }
0xc0: {  	[spmem:s11] =	stream.linear.scatter [tilespmem:s23], [sflag:$0x6], $0x1000, $0x38;
	[tilespmem:$0x1F500] =	vst v63  }
0xc1: {  	_ =	swait.ge [sflag:s24], $0x1000  }
0xc2: {  	s12 =	sld [smem:$0x7F9]  }
0xc3: {  	[sflag:s24] =	ssyncset.done $0x0  }
0xc4: {  	[sflag:s24] =	ssyncadd.s32 $0xFFFFF000  }
0xc5: {  	[spmem:s12] =	stream.linear.scatter [tilespmem:s23], [sflag:$0x6], $0x1000, $0x38;
	[tilespmem:$0x1F500] =	vst v63  }
0xc6: {  	_ =	swait.ge [sflag:s24], $0x1000  }
0xc7: {  	s13 =	sld [smem:$0x7FA]  }
0xc8: {  	[sflag:s24] =	ssyncset.done $0x0  }
0xc9: {  	[sflag:s24] =	ssyncadd.s32 $0xFFFFF000  }
0xca: {  	[spmem:s13] =	stream.linear.scatter [tilespmem:s23], [sflag:$0x6], $0x1000, $0x38;
	[tilespmem:$0x1F500] =	vst v63  }
0xcb: {  	_ =	swait.ge [sflag:s24], $0x1000  }
0xcc: {  	s14 =	sld [smem:$0x7FB]  }
0xcd: {  	[sflag:s24] =	ssyncset.done $0x0  }
0xce: {  	[sflag:s24] =	ssyncadd.s32 $0xFFFFF000  }
0xcf: {  	[spmem:s14] =	stream.linear.scatter [tilespmem:s23], [sflag:$0x6], $0x1000, $0x38;
	[tilespmem:$0x1F500] =	vst v63  }
0xd0: {  	_ =	swait.ge [sflag:s24], $0x1000  }
0xd1: {  	s15 =	sld [smem:$0x7FC]  }
0xd2: {  	[sflag:s24] =	ssyncset.done $0x0  }
0xd3: {  	[sflag:s24] =	ssyncadd.s32 $0xFFFFF000  }
0xd4: {  	[spmem:s15] =	stream.linear.scatter [tilespmem:s23], [sflag:$0x6], $0x1000, $0x38;
	[tilespmem:$0x1F500] =	vst v63  }
0xd5: {  	_ =	swait.ge [sflag:s24], $0x1000  }
0xd6: {  	[sflag:s24] =	ssyncset.done $0x0  }
0xd7: {  	s1 =	simm.s32 @p1 $0x4;
	[sflag:s24] =	ssyncadd.s32 $0xFFFFF000  }
0xd8: {  	_ =	swait.ge @p1 [sflag:s1], $0x1720  }
0xd9: {  	[sflag:s1] =	ssyncset.done @p1 $0x0  }
0xda: {  	[sflag:s1] =	ssyncadd.s32 @p1 $0xFFFFE8E0  }
0xdb: {  	_ =	swait.ge @p1 [sflag:s1], $0x20  }
0xdc: {  	[sflag:s1] =	ssyncset.done @p1 $0x0  }
0xdd: {  	s4 =	simm.s32 @!p1 $0x4;
	[sflag:s1] =	ssyncadd.s32 @p1 $0xFFFFFFE0  }
0xde: {  	_ =	swait.ge @!p1 [sflag:s4], $0x1880  }
0xdf: {  	s1 =	simm.s32 @!p1 $0x188;
	[sflag:s4] =	ssyncset.done @!p1 $0x0  }
0xe0: {  	s17 =	simm.s32 $0xC300;
	s1 =	simm.s32 @p1 $0x174;
	[sflag:s4] =	ssyncadd.s32 @!p1 $0xFFFFE780  }
0xe1: {  	p3 =	sne.s32 s1, $0x1;
	v3 =	vld [tilespmem:s17+$0x0]  }
.Ltmp3:
0xe2: {  	_ = 	snop;
	(pc) =	sbr.rel @!p3 .LBB2_5-.Ltmp3, $2  }
0xe3: {  	_ =	sdelay $0x2  }
0xe4: {  	v2 =	vimm.s32 $0x0;
	s1 =	sadd.s32 $0xFFFFFFFF, s1;
	s4 =	simm.s32 $0xC310;
	vm0 =	vlt.s32 v3, $0x1000  }
.LBB2_4:
0xe5: {  	v3 =	vld [tilespmem:s4+$0x0];
	p3 =	sne.s32 s1, $0x1;
	s1 =	sadd.s32 $0xFFFFFFFF, s1;
	v4 =	vsel vm0, $0x1, v1  }
.Ltmp4:
0xe6: {  	v2 =	vadd.s32 v4, v2;
	(pc) =	sbr.rel @p3 .LBB2_4-.Ltmp4, $2  }
0xe7: {  	_ =	sdelay $0x2  }
0xe8: {  	s4 =	sadd.s32 $0x10, s4;
	vm0 =	vlt.s32 v3, $0x1000  }
.LBB2_5:
0xe9: {  	v3 =	vsel vm0, $0x1, v1  }
0xea: {  	v2 =	vadd.s32 v3, v2  }
0xeb: {  	[tilespmem:$0xEC00] =	vst v2  }
0xec: {  	[tilespmem:$0xEC10] =	vst v2  }
0xed: {  	[tilespmem:$0xEC20] =	vst v2  }
0xee: {  	[tilespmem:$0xEC30] =	vst v2  }
0xef: {  	[tilespmem:$0xEC40] =	vst v2  }
0xf0: {  	[tilespmem:$0xEC50] =	vst v2  }
0xf1: {  	[tilespmem:$0xEC60] =	vst v2  }
0xf2: {  	s1 =	rddreg [dreg:$0x14];
	s4 =	simm.s32 $0xEC00;
	[tilespmem:$0xEC70] =	vst v2  }
0xf3: {  	[spmem:s1] =	stream.linear.scatter [tilespmem:s4], [sflag:$0x6], $0x80, $0x38;
	[tilespmem:$0x1F500] =	vst v63  }
0xf4: {  	_ =	swait.ge [sflag:s24], $0x80  }
0xf5: {  	[sflag:s24] =	ssyncset.done $0x0  }
0xf6: {  	[sflag:s24] =	ssyncadd.s32 $0xFFFFFF80  }
0xf7: {  	[bflag:$0x0] =	sbarrier.arrive $0xFFFF  }
0xf8: {  	s15 =	simm.s32 $0xEC80;
	s14 =	rddreg [dreg:$0x6]  }
0xf9: {  	[tilespmem:s15], [sflag:$0x6] =	stream.linear.gather [spmem:s14], $0x800, $0x38;
	[tilespmem:$0x1F500] =	vst v63  }
0xfa: {  	_ =	swait.ge [sflag:s24], $0x800  }
0xfb: {  	[sflag:s24] =	ssyncset.done $0x0  }
0xfc: {  	[sflag:s24] =	ssyncadd.s32 $0xFFFFF800  }
0xfd: {  	v2 =	vld [tilespmem:$0xEC80]  }
0xfe: {  	v3 =	vld [tilespmem:$0xED00]  }
0xff: {  	v4 =	vld [tilespmem:$0xED80]  }
0x100: {  	v5 =	vld [tilespmem:$0xEE00]  }
0x101: {  	v6 =	vld [tilespmem:$0xEE80]  }
0x102: {  	v7 =	vld [tilespmem:$0xEF00]  }
0x103: {  	v2 =	vadd.s32 v2, v3;
	v3 =	vld [tilespmem:$0xEF80]  }
0x104: {  	v56 =	vld [tilespmem:$0xF000];
	v2 =	vadd.s32 v2, v4  }
0x105: {  	v57 =	vld [tilespmem:$0xF080];
	v2 =	vadd.s32 v2, v5  }
0x106: {  	v58 =	vld [tilespmem:$0xF100];
	v2 =	vadd.s32 v2, v6  }
0x107: {  	v59 =	vld [tilespmem:$0xF180];
	v2 =	vadd.s32 v2, v7  }
0x108: {  	v2 =	vadd.s32 v2, v3;
	v3 =	vld [tilespmem:$0xF200]  }
0x109: {  	v60 =	vld [tilespmem:$0xF280];
	v2 =	vadd.s32 v2, v56  }
0x10a: {  	v61 =	vld [tilespmem:$0xF300];
	v2 =	vadd.s32 v2, v57  }
0x10b: {  	v62 =	vld [tilespmem:$0xF380];
	v2 =	vadd.s32 v2, v58  }
0x10c: {  	v63 =	vld [tilespmem:$0xF400];
	v2 =	vadd.s32 v2, v59  }
0x10d: {  	v2 =	vadd.s32 v2, v3  }
0x10e: {  	v2 =	vadd.s32 v2, v60  }
0x10f: {  	v2 =	vadd.s32 v2, v61  }
0x110: {  	v2 =	vadd.s32 v2, v62  }
0x111: {  	v2 =	vadd.s32 v2, v63  }
0x112: {  	(xrf0) =	vadd.scan.msk.s32 $0xffff, v2;
	_ =	sdelay $0x5  }
0x113: {  	v2, _, _ =	vpop (xrf0)  }
0x114: {  	(v2sf) =	vpush v2, $0xF;
	_ =	sdelay $0xe  }
0x115: {  	s17 =	spop (v2sf)  }
0x116: {  	_ =	swait.ge [sflag:s25], $0x4000  }
0x117: {  	[sflag:s25] =	ssyncset.done $0x0  }
0x118: {  	s11 =	sadd.s32 $0x7F, s17;
	s12 =	sand.u32 $0x7F, s17;
	[sflag:s25] =	ssyncadd.s32 $0xFFFFC000  }
0x119: {  	p6 =	slt.s32 s17, $0x1;
	s13 =	sshra.s32 s17, $0x1F;
	_ =	swait.ge [sflag:s25], $0x4000  }
0x11a: {  	s5 =	sshra.s32 s11, $0x1F;
	p3 =	slt.s32 s11, $0x1;
	[sflag:s25] =	ssyncset.done $0x0  }
0x11b: {  	p5 =	sne.s32 s12, $0x0;
	s7 =	rddreg [dreg:$0xe];
	[sflag:s25] =	ssyncadd.s32 $0xFFFFC000  }
0x11c: {  	[hbm4b:s7+s26] =	stream.strided.scatter [tilespmem:s19], [sflag:$0x1], $0x4000, s28, s26, $0x38;
	[tilespmem:$0x1F500] =	vst v63  }
0x11d: {  	s14 =	sshrl.u32 s13, $0x19;
	s5 =	sshrl.u32 s5, $0x19;
	s7 =	sand.u32 $0x7F, s11  }
0x11e: {  	s1 =	sadd.s32 s14, s17;
	s8 =	rddreg [dreg:$0xf];
	p4 =	sne.s32 s7, $0x0  }
0x11f: {  	[hbm4b:s8+s26] =	stream.strided.scatter [tilespmem:s21], [sflag:$0x1], $0x4000, s28, s26, $0x38;
	[tilespmem:$0x1F500] =	vst v63  }
0x120: {  	s4 =	sadd.s32 s5, s11;
	p3 =	por !p3, !p4;
	p4 =	por !p6, !p5  }
0x121: {  	s5 =	simm.s32 $0x1;
	s1 =	sshra.s32 s1, $0x7;
	p4 =	por !p4, !p4  }
0x122: {  	s7 =	simm.s32 $0x1;
	p3 =	por !p3, !p3;
	s5 =	simm.s32 @!p4 $0x0  }
0x123: {  	s4 =	sshra.s32 s4, $0x7;
	s7 =	simm.s32 @!p3 $0x0;
	s1 =	ssub.s32 s1, s5  }
0x124: {  	s5 =	ssub.s32 s4, s7;
	p3 =	slt.s32 s1, $0x30D  }
0x125: {  	p4 =	slt.s32 s5, $0x30D;
	s1 =	simm.s32 @!p3 $0x30D  }
0x126: {  	s15 =	stileid.u32;
	s5 =	simm.s32 @!p4 $0x30D;
	s1 =	simm.s32 @p0 $0x0  }
0x127: {  	s5 =	simm.s32 @!p0 $0x30D;
	s4 =	sadd.s32 s15, s1  }
0x128: {  	s1 =	ssub.s32 s5, s4  }
0x129: {  	p3 =	sgt.s32 s1, $0xFFFFFFF1  }
0x12a: {  	p5 =	slt.s32 s1, $0xFFFFFFF2;
	s1 =	simm.s32 @!p3 $0xFFFFFFF1  }
0x12b: {  	s1 =	sadd.s32 $0xF, s1  }
0x12c: {  	s17 =	sand.u32 $0xF, s1  }
0x12d: {  	p6 =	sne.s32 s17, $0x0  }
0x12e: {  	p3 =	por !p5, !p6  }
0x12f: {  	s5 =	simm.s32 $0x1;
	p3 =	por !p3, !p3  }
0x130: {  	s7 =	sshrl.u32 s1, $0x4;
	s5 =	simm.s32 @!p3 $0x0  }
0x131: {  	s1 =	ssub.s32 s7, s5  }
0x132: {  	_ =	swait.ge [sflag:s25], $0x4000;
	p4 =	slt.s32 s1, $0x1  }
.Ltmp5:
0x133: {  	[sflag:s25] =	ssyncset.done $0x0;
	(pc) =	sbr.rel @p4 .LBB2_9-.Ltmp5, $4  }
0x134: {  	[sflag:s25] =	ssyncadd.s32 $0xFFFFC000  }
0x135: {  	_ =	swait.ge [sflag:s25], $0x4000  }
0x136: {  	[sflag:s25] =	ssyncset.done $0x0  }
0x137: {  	[sflag:s25] =	ssyncadd.s32 $0xFFFFC000  }
0x138: {  	s5 =	sshll.u32 s4, $0x4;
	s8 =	simm.s32 $0x0  }
0x139: {  	s10 =	simm.s32 $0x200;
	s14 =	sshll.u32 s4, $0xB;
	s5 =	sand.u32 $0x1FFFFFF0, s5  }
0x13a: {  	s17 =	sshll.u32 s4, $0x7;
	s15 =	sand.u32 $0x1FFFF800, s14;
	s5 =	sadd.s32 s2, s5  }
0x13b: {  	[tilespmem:s10], [sflag:$0x2] =	stream.linear.gather [hbm4b:s5+s8], $0x80, $0x38;
	[tilespmem:$0x1F500] =	vst v63  }
0x13c: {  	s4 =	simm.s32 $0x1;
	p4 =	sle.s32 s1, $0x1;
	s10 =	sadd.s32 s0, s15  }
0x13d: {  	[tilespmem:s19], [sflag:$0x3] =	stream.linear.gather [hbm4b:s10+s8], $0x4000, $0x38;
	[tilespmem:$0x1F500] =	vst v63  }
0x13e: {  	s15 =	sand.u32 @!p4 $0x1, s4;
	s10 =	sadd.s32 $0x800, s17  }
0x13f: {  	s17 =	sshll.u32 @!p4 s15, $0x7;
	s11 =	sshrl.u32 @!p4 s10, $0x3  }
0x140: {  	s12 =	simm.s32 @!p4 $0x0;
	s17 =	sor.u32 @!p4 $0x200, s17;
	s11 =	sadd.s32 @!p4 s2, s11  }
0x141: {  	[tilespmem:s17], [sflag:$0x2] =	stream.linear.gather @!p4 [hbm4b:s11+s12], $0x80, $0x38;
	[tilespmem:$0x1F500] =	vst v63  }
0x142: {  	s11 =	simm.s32 $0xFFFFFFFF  }
0x143: {  	s13 =	sld [smem:$0x7FD];
	s11 =	simm.s32 @!p3 $0x0  }
0x144: {  	s7 =	sadd.s32 s11, s7  }
0x145: {  	s15 =	sshll.u32 @!p4 s15, $0xE;
	p3 =	sne.s32 s7, $0x1  }
.Ltmp6:
0x146: {  	s5 =	sadd.s32 s14, s13;
	s11 =	sor.u32 @!p4 $0x300, s15;
	(pc) =	sbr.rel @!p3 .LBB2_8-.Ltmp6, $4  }
0x147: {  	[tilespmem:s11], [sflag:$0x3] =	stream.linear.gather @!p4 [hbm4b:s5+s12], $0x4000, $0x38;
	[tilespmem:$0x1F500] =	vst v63  }
0x148: {  	_ =	swait.ge [sflag:s18], $0x80  }
0x149: {  	s8 =	sand.u32 $0x1, s8;
	s15 =	sadd.s32 $0x800, s10;
	[sflag:s18] =	ssyncset.done $0x0  }
0x14a: {  	s10 =	sshll.u32 s8, $0xE;
	s8 =	sshll.u32 s8, $0x7;
	[sflag:s18] =	ssyncadd.s32 $0xFFFFFF80  }
.LBB2_7:
0x14b: {  	_ =	swait.ge [sflag:s29], $0x4000  }
0x14c: {  	s10 =	sor.u32 $0x300, s10;
	s11 =	smov.u32 s4;
	s4 =	sadd.s32 $0x1, s4  }
0x14d: {  	s8 =	sor.u32 $0x200, s8;
	p3 =	sge.s32 s4, s1;
	[sflag:s29] =	ssyncset.done $0x0  }
0x14e: {  	s12 =	sand.u32 @!p3 $0x1, s4;
	s17 =	simm.s32 @!p3 $0x0;
	[sflag:s29] =	ssyncadd.s32 $0xFFFFC000  }
0x14f: {  	s14 =	sshrl.u32 @!p3 s15, $0x3;
	s13 =	sshll.u32 @!p3 s12, $0x7;
	s12 =	sshll.u32 @!p3 s12, $0xE  }
0x150: {  	[spmem:s3] =	stream.indirect.scatter.add.f32 [tilespmem:s10], [sflag:$0x6], $0x80, s8, s16, $0xb8;
	[tilespmem:$0x1F500] =	vst v63  }
0x151: {  	s8 =	sor.u32 @!p3 $0x200, s13;
	s10 =	sadd.s32 @!p3 s2, s14;
	_ =	swait.ge [sflag:s24], $0x4000  }
0x152: {  	s5 =	sadd.s32 $0x8000, s5;
	p4 =	sne.s32 s7, s4;
	[sflag:s24] =	ssyncset.done $0x0  }
0x153: {  	s12 =	sor.u32 @!p3 $0x300, s12;
	[sflag:s24] =	ssyncadd.s32 $0xFFFFC000  }
0x154: {  	[tilespmem:s8], [sflag:$0x2] =	stream.linear.gather @!p3 [hbm4b:s10+s17], $0x80, $0x38;
	[tilespmem:$0x1F500] =	vst v63  }
.Ltmp7:
0x155: {  	(pc) =	sbr.rel @p4 .LBB2_7-.Ltmp7, $4  }
0x156: {  	[tilespmem:s12], [sflag:$0x3] =	stream.linear.gather @!p3 [hbm4b:s5+s17], $0x4000, $0x38;
	[tilespmem:$0x1F500] =	vst v63  }
0x157: {  	_ =	swait.ge [sflag:s18], $0x80  }
0x158: {  	s15 =	sadd.s32 $0x800, s15;
	s8 =	sand.u32 $0x1, s11;
	[sflag:s18] =	ssyncset.done $0x0  }
0x159: {  	s10 =	sshll.u32 s8, $0xE;
	s8 =	sshll.u32 s8, $0x7;
	[sflag:s18] =	ssyncadd.s32 $0xFFFFFF80  }
.Ltmp8:
0x15a: {  	_ = 	snop;
	(pc) =	sbr.rel .LBB2_8-.Ltmp8, $1  }
0x15b: {  	_ =	sdelay $0x3  }
.LBB2_10:
0x15c: {  	_ =	sfence.sel $0x180000  }
0x15d: {  	[bflag:$0x0] =	sbarrier.arrive $0xFFFF  }
0x15e: {  	_ =	strace $0x90000047  }
0x15f: {  	s0 =	stileid.u32;
	[bflag:$0x2] =	sbarrier.arrive $0xFFFF  }
0x160: {  	p0 =	sne.s32 s0, $0x0;
	s0 =	rddreg [dreg:$0x7]  }
0x161: {  	s0 =	sadd.s32 @!p0 $0x100000, s0  }
0x162: {  	[sflag:s0] =	ssyncadd.tile.s32 @!p0 $0x1;
	_ =	shalt  }
.Lfunc_end2:
_tile_overlayer_lowered:
.L_overlay_start_2:
0x163: {  	(tag) =	ssettag $0x2  }
0x164: {  	s0 =	rddreg [dreg:$0x0];
	s2 =	stileid.u32  }
0x165: {  	s1 =	rddreg [dreg:$0x1];
	p0 =	sne.s32 s2, $0x0  }
0x166: {  	s3 =	rddreg [dreg:$0x2];
	[bflag:$0x3] =	sbarrier.arrive $0xFFFF;
	s2 =	simm.s32 @!p0 $0x1C06  }
0x167: {  	[timem:s3], [sflag:s2] =	dma.local @!p0 [hbm:s0], s1  }
0x168: {  	s0 =	simm.s32 @!p0 $0x6  }
0x169: {  	_ =	swait.ge @!p0 [sflag:s0], s1  }
0x16a: {  	s1 =	ssub.s32 @!p0 $0x0, s1;
	[sflag:s0] =	ssyncset.done @!p0 $0x0  }
0x16b: {  	[sflag:s0] =	ssyncadd.s32 @!p0 s1  }
0x16c: {  	[bflag:$0x3] =	sbarrier.arrive $0xFFFF  }
0x16d: {  	_ =	shalt  }

</sc_bundles>
